<compile_context>
chip_gen: v7x
topology: tpu7x:2x2x1
jax: 0.10.2.dev20260603
libtpu: 0.0.44.dev20260713+nightly
codegen_flags: <defaults>
</compile_context>

<pallas_src>
import jax
import jax.numpy as jnp
from jax import lax
from jax.experimental import pallas as pl
from jax.experimental.pallas import tpu as pltpu, tpu_sc as plsc

VOCAB_N = 100000
EMBED_N = 64
NEG_N = 64
BATCH_N = 4096
K_N = NEG_N + 1
NC, NS, LANES = 2, 16, 16
NW = NC * NS
BPW = BATCH_N // NW
CHB = 8
NCH = BPW // CHB
ROWS = CHB * K_N
SUB = 104
NSUB = ROWS // SUB
G_N = (K_N + LANES - 1) // LANES


def _sc_body(ctx_hbm, tgt_hbm, neg_hbm, emb_hbm, w_hbm, b_hbm, out_hbm,
             ctx_v, tgt_v, neg_v, samp_v, emb_v, w0, w1, bb0, bb1, out_v,
             sem_e, sw0, sw1, sb0, sb1):
    cid = lax.axis_index("c")
    sid = lax.axis_index("s")
    wid = sid * NC + cid
    base = pl.multiple_of(wid * BPW, 8)
    nbase = pl.multiple_of(wid * (BPW * NEG_N), 8)

    iota = lax.iota(jnp.int32, LANES)

    pltpu.sync_copy(ctx_hbm.at[pl.ds(base, BPW)], ctx_v)
    emb_cp = pltpu.async_copy(emb_hbm.at[ctx_v], emb_v, sem_e)
    pltpu.sync_copy(tgt_hbm.at[pl.ds(base, BPW)], tgt_v)
    pltpu.sync_copy(neg_hbm.at[pl.ds(nbase, BPW * NEG_N)], neg_v)

    def tgt_asm(q, _):
        tv = tgt_v[pl.ds(q * LANES, LANES)]
        plsc.store_scatter(samp_v, [(q * LANES + iota) * K_N], tv)
        return 0

    lax.fori_loop(0, BPW // LANES, tgt_asm, 0)

    def neg_asm(bl, _):
        for g4 in range(NEG_N // LANES):
            v = neg_v[pl.ds(bl * NEG_N + g4 * LANES, LANES)]
            plsc.store_scatter(samp_v, [bl * K_N + 1 + g4 * LANES + iota], v)
        return 0

    lax.fori_loop(0, BPW, neg_asm, 0)

    w_bufs = (w0, w1)
    b_bufs = (bb0, bb1)
    w_sems = (sw0, sw1)
    b_sems = (sb0, sb1)

    def issue(c, s):
        for j in range(NSUB):
            off = pl.multiple_of(c * ROWS + j * SUB, 8)
            idx = samp_v.at[pl.ds(off, SUB)]
            pltpu.async_copy(w_hbm.at[idx],
                             w_bufs[s].at[pl.ds(j * SUB, SUB)], w_sems[s])
            pltpu.async_copy(b_hbm.at[idx],
                             b_bufs[s].at[pl.ds(j * SUB, SUB)], b_sems[s])

    def drain(s):
        pltpu.make_async_copy(w_hbm.at[pl.ds(0, ROWS)], w_bufs[s], w_sems[s]).wait()
        pltpu.make_async_copy(b_hbm.at[pl.ds(0, ROWS)], b_bufs[s], b_sems[s]).wait()

    issue(0, 0)
    issue(1, 1)
    emb_cp.wait()

    rows_g = []
    valid_g = []
    cols_g = []
    for g in range(G_N):
        kk = g * LANES + iota
        valid_g.append(kk < K_N)
        rows_g.append(jnp.minimum(kk, K_N - 1))
        cols_g.append(jnp.minimum(kk, K_N - 1))

    def compute_chunk(c, s):
        wb = w_bufs[s]
        bb = b_bufs[s]

        def b_body(bl, _):
            rows = [bl * K_N + r for r in rows_g]
            accs = tuple(plsc.load_gather(bb, [rows[g]])
                         for g in range(G_N))
            b_abs = c * CHB + bl
            bvec = lax.broadcast(b_abs, (LANES,))

            @plsc.parallel_loop(0, EMBED_N, step=1, unroll=8, carry=accs)
            def accs(e, acc):
                col = (iota + lax.broadcast(e, (LANES,))) & (EMBED_N - 1)
                scb = plsc.load_gather(emb_v, [bvec, col])
                return tuple(acc[g] + plsc.load_gather(wb, [rows[g], col]) * scb
                             for g in range(G_N))

            neg = jnp.float32(-1e30)
            accs = [jnp.where(valid_g[g], accs[g], neg) for g in range(G_N)]
            m = accs[0]
            for g in range(1, G_N):
                m = jnp.maximum(m, accs[g])
            mb = lax.broadcast(jnp.max(m), (LANES,))
            exps = [jnp.where(valid_g[g], jnp.exp(accs[g] - mb),
                              jnp.float32(0.0)) for g in range(G_N)]
            tot = exps[0]
            for g in range(1, G_N):
                tot = tot + exps[g]
            tb = lax.broadcast(jnp.sum(tot), (LANES,))
            for g in range(G_N):
                plsc.store_scatter(out_v, [bvec, cols_g[g]],
                                   exps[g] / tb, mask=valid_g[g])
            return 0

        lax.fori_loop(0, CHB, b_body, 0)

    def jj_body(jj, _):
        for s in range(2):
            c = jj * 2 + s
            drain(s)
            compute_chunk(c, s)

            @pl.when(c + 2 < NCH)
            def _():
                issue(c + 2, s)
        return 0

    lax.fori_loop(0, NCH // 2, jj_body, 0)

    pltpu.sync_copy(out_v, out_hbm.at[pl.ds(base, BPW)])


def kernel(target, context, embed_table, softmax_w_table, softmax_b_table):
    neg_key = jax.random.key(1)
    negatives = jax.random.randint(neg_key, (target.shape[0], NEG_N), 0,
                                   VOCAB_N, dtype=jnp.int64)
    neg_flat = negatives.astype(jnp.int32).reshape(-1)
    tgt = target.reshape(-1).astype(jnp.int32)
    ctx = context.reshape(-1).astype(jnp.int32)

    mesh = plsc.VectorSubcoreMesh(core_axis_name="c", subcore_axis_name="s",
                                  num_cores=NC, num_subcores=NS)
    f = pl.kernel(
        _sc_body,
        out_type=jax.ShapeDtypeStruct((BATCH_N, K_N), jnp.float32),
        mesh=mesh,
        compiler_params=pltpu.CompilerParams(needs_layout_passes=False,
                                             use_tc_tiling_on_sc=False),
        scratch_types=[
            pltpu.VMEM((BPW,), jnp.int32),
            pltpu.VMEM((BPW,), jnp.int32),
            pltpu.VMEM((BPW * NEG_N,), jnp.int32),
            pltpu.VMEM((BPW * K_N,), jnp.int32),
            pltpu.VMEM((BPW, EMBED_N), jnp.float32),
            pltpu.VMEM((ROWS, EMBED_N), jnp.float32),
            pltpu.VMEM((ROWS, EMBED_N), jnp.float32),
            pltpu.VMEM((ROWS,), jnp.float32),
            pltpu.VMEM((ROWS,), jnp.float32),
            pltpu.VMEM((BPW, K_N), jnp.float32),
            pltpu.SemaphoreType.DMA,
            pltpu.SemaphoreType.DMA,
            pltpu.SemaphoreType.DMA,
            pltpu.SemaphoreType.DMA,
            pltpu.SemaphoreType.DMA,
        ],
    )
    return f(ctx, tgt, neg_flat, embed_table, softmax_w_table,
             softmax_b_table.reshape(-1))

# --- scband reference (transcript-rebuilt; emitter-appended) ---
"""Pipeline reference for scband-skip-gram-6399501271505 (READ-ONLY COPY).

The authoritative reference and input builder live on the scoring server;
editing this copy changes nothing except your own understanding.
"""

import jax, jax.numpy as jnp
import numpy as np

VOCAB = 100000
EMBED = 64
NEG = 64
BATCH = 4096


def setup_inputs(seed: int = 0) -> dict:
    key = jax.random.key(seed)
    k1, k2, k3, k4, k5 = jax.random.split(key, 5)
    target = jax.random.randint(k1, (BATCH, 1), 0, VOCAB, dtype=jnp.int64)
    context = jax.random.randint(k2, (BATCH, 1), 0, VOCAB, dtype=jnp.int64)
    # learned parameters (Keras Embedding default init ~ uniform(-0.05, 0.05))
    embed_table = jax.random.uniform(k3, (VOCAB, EMBED), jnp.float32, -0.05, 0.05)
    softmax_w_table = jax.random.uniform(k4, (VOCAB, EMBED), jnp.float32, -0.05, 0.05)
    softmax_b_table = jax.random.uniform(k5, (VOCAB, 1), jnp.float32, -0.05, 0.05)
    return {
        "target": target,
        "context": context,
        "embed_table": embed_table,
        "softmax_w_table": softmax_w_table,
        "softmax_b_table": softmax_b_table,
    }


def reference(target, context, embed_table, softmax_w_table, softmax_b_table):
    # embed = Embedding(context) -> [B, 1, E]
    embed = jnp.take(embed_table, context, axis=0)
    # AvgPool lambda: K.sum over axis=1 -> [B, E]
    embed_pool = jnp.sum(embed, axis=1)
    # negative sampling: uniform random ids in [0, vocab) -> [B, NEG]
    neg_key = jax.random.key(1)
    negatives = jax.random.randint(neg_key, (target.shape[0], NEG), 0, VOCAB, dtype=jnp.int64)
    # samples = concat([target, negatives], axis=1) -> [B, 1+NEG]
    samples = jnp.concatenate([target, negatives], axis=1)
    # gather sampled softmax weights / biases
    softmax_w = jnp.take(softmax_w_table, samples, axis=0)  # [B, 1+NEG, E]
    softmax_b = jnp.take(softmax_b_table, samples, axis=0)  # [B, 1+NEG, 1]
    # K.batch_dot(softmax_w, expand_dims(embed_pool, 2)) + b, then [:, :, 0], softmax
    logits = jnp.einsum("bke,be->bk", softmax_w, embed_pool) + softmax_b[:, :, 0]
    y_hat = jax.nn.softmax(logits, axis=-1)
    return y_hat

if __name__ == "__main__":
    import jax
    _d = setup_inputs()
    print(jax.jit(kernel)(*tuple(_d.values())))

</pallas_src>

<mosaic_0001>
#map = affine_map<(d0, d1) -> (0)>
#map1 = affine_map<(d0, d1) -> (0, 0)>
module attributes {stable_mosaic.version = 14 : i64} {
  func.func @_sc_body(%arg0: i32, %arg1: i32, %arg2: memref<4096xi32, #tpu.memory_space<hbm>>, %arg3: memref<4096xi32, #tpu.memory_space<hbm>>, %arg4: memref<262144xi32, #tpu.memory_space<hbm>>, %arg5: memref<100000x64xf32, #tpu.memory_space<hbm>>, %arg6: memref<100000x64xf32, #tpu.memory_space<hbm>>, %arg7: memref<100000xf32, #tpu.memory_space<hbm>>, %arg8: memref<4096x65xf32, #tpu.memory_space<hbm>>, %arg9: memref<128xi32, #tpu.memory_space<vmem>>, %arg10: memref<128xi32, #tpu.memory_space<vmem>>, %arg11: memref<8192xi32, #tpu.memory_space<vmem>>, %arg12: memref<8320xi32, #tpu.memory_space<vmem>>, %arg13: memref<128x64xf32, #tpu.memory_space<vmem>>, %arg14: memref<520x64xf32, #tpu.memory_space<vmem>>, %arg15: memref<520x64xf32, #tpu.memory_space<vmem>>, %arg16: memref<520xf32, #tpu.memory_space<vmem>>, %arg17: memref<520xf32, #tpu.memory_space<vmem>>, %arg18: memref<128x65xf32, #tpu.memory_space<vmem>>, %arg19: memref<!tpu.dma_semaphore, #tpu.memory_space<semaphore_mem>>, %arg20: memref<!tpu.dma_semaphore, #tpu.memory_space<semaphore_mem>>, %arg21: memref<!tpu.dma_semaphore, #tpu.memory_space<semaphore_mem>>, %arg22: memref<!tpu.dma_semaphore, #tpu.memory_space<semaphore_mem>>, %arg23: memref<!tpu.dma_semaphore, #tpu.memory_space<semaphore_mem>>) attributes {dimension_semantics = [#tpu.dimension_semantics<core_parallel>, #tpu.dimension_semantics<subcore_parallel>], iteration_bounds = array<i64: 2, 16>, scalar_prefetch = 0 : i64, scratch_operands = 15 : i64, tpu.core_type = #tpu.core_type<sc_vector_subcore>, window_params = [{transform_indices = #map}, {transform_indices = #map}, {transform_indices = #map}, {transform_indices = #map1}, {transform_indices = #map1}, {transform_indices = #map}, {transform_indices = #map1}]} {
    %mul3A = arith.constant 2 : i32
    %mul3A_0 = arith.muli %arg1, %mul3A : i32
    %add3A = arith.addi %mul3A_0, %arg0 : i32
    %mul3A_1 = arith.constant 128 : i32
    %mul3A_2 = arith.muli %add3A, %mul3A_1 : i32
    %multiple_of3A = tpu.assume_multiple %mul3A_2, 8 : i32
    %mul3A_3 = arith.constant 8192 : i32
    %mul3A_4 = arith.muli %add3A, %mul3A_3 : i32
    %multiple_of3A_5 = tpu.assume_multiple %mul3A_4, 8 : i32
    %iota3A = tpu.iota {dimensions = array<i32: 0>} : vector<16xi32>
    "tpu.region"() ({
      %run_scoped3A = tpu.sem_alloc : memref<!tpu.dma_semaphore, #tpu.memory_space<semaphore_mem>>
      %dma_start3A_228 = tpu.memref_slice %arg2[%multiple_of3A] : memref<4096xi32, #tpu.memory_space<hbm>> -> memref<128xi32, #tpu.memory_space<hbm>>
      %dma_start3A_229 = tpu.memref_slice %arg2[%multiple_of3A] : memref<4096xi32, #tpu.memory_space<hbm>> -> memref<128xi32, #tpu.memory_space<hbm>>
      tpu.enqueue_dma source(%dma_start3A_229 : memref<128xi32, #tpu.memory_space<hbm>>) target(%arg9 : memref<128xi32, #tpu.memory_space<vmem>>) target_semaphore(%run_scoped3A : memref<!tpu.dma_semaphore, #tpu.memory_space<semaphore_mem>>)
      %dma_wait3A_230 = tpu.memref_slice %arg2[%multiple_of3A] : memref<4096xi32, #tpu.memory_space<hbm>> -> memref<128xi32, #tpu.memory_space<hbm>>
      %dma_wait3A_231 = tpu.memref_slice %arg2[%multiple_of3A] : memref<4096xi32, #tpu.memory_space<hbm>> -> memref<128xi32, #tpu.memory_space<hbm>>
      tpu.wait_dma2 semaphore(%run_scoped3A : memref<!tpu.dma_semaphore, #tpu.memory_space<semaphore_mem>>) src(%dma_wait3A_231 : memref<128xi32, #tpu.memory_space<hbm>>) dst(%arg9 : memref<128xi32, #tpu.memory_space<vmem>>)
      tpu.yield
    }) : () -> ()
    %dma_start3A = arith.constant 0 : i32
    %dma_start3A_6 = arith.constant 0 : i32
    %dma_start3A_7 = tpu.memref_slice %arg5[%dma_start3A, %dma_start3A_6] : memref<100000x64xf32, #tpu.memory_space<hbm>> -> memref<100000x64xf32, #tpu.memory_space<hbm>>
    tpu.enqueue_indirect_dma source(%dma_start3A_7 : memref<100000x64xf32, #tpu.memory_space<hbm>>) target(%arg13 : memref<128x64xf32, #tpu.memory_space<vmem>>) offsets(%arg9 : memref<128xi32, #tpu.memory_space<vmem>>) semaphore(%arg19 : memref<!tpu.dma_semaphore, #tpu.memory_space<semaphore_mem>>)
    "tpu.region"() ({
      %run_scoped3A = tpu.sem_alloc : memref<!tpu.dma_semaphore, #tpu.memory_space<semaphore_mem>>
      %dma_start3A_228 = tpu.memref_slice %arg3[%multiple_of3A] : memref<4096xi32, #tpu.memory_space<hbm>> -> memref<128xi32, #tpu.memory_space<hbm>>
      %dma_start3A_229 = tpu.memref_slice %arg3[%multiple_of3A] : memref<4096xi32, #tpu.memory_space<hbm>> -> memref<128xi32, #tpu.memory_space<hbm>>
      tpu.enqueue_dma source(%dma_start3A_229 : memref<128xi32, #tpu.memory_space<hbm>>) target(%arg10 : memref<128xi32, #tpu.memory_space<vmem>>) target_semaphore(%run_scoped3A : memref<!tpu.dma_semaphore, #tpu.memory_space<semaphore_mem>>)
      %dma_wait3A_230 = tpu.memref_slice %arg3[%multiple_of3A] : memref<4096xi32, #tpu.memory_space<hbm>> -> memref<128xi32, #tpu.memory_space<hbm>>
      %dma_wait3A_231 = tpu.memref_slice %arg3[%multiple_of3A] : memref<4096xi32, #tpu.memory_space<hbm>> -> memref<128xi32, #tpu.memory_space<hbm>>
      tpu.wait_dma2 semaphore(%run_scoped3A : memref<!tpu.dma_semaphore, #tpu.memory_space<semaphore_mem>>) src(%dma_wait3A_231 : memref<128xi32, #tpu.memory_space<hbm>>) dst(%arg10 : memref<128xi32, #tpu.memory_space<vmem>>)
      tpu.yield
    }) : () -> ()
    "tpu.region"() ({
      %run_scoped3A = tpu.sem_alloc : memref<!tpu.dma_semaphore, #tpu.memory_space<semaphore_mem>>
      %dma_start3A_228 = tpu.memref_slice %arg4[%multiple_of3A_5] : memref<262144xi32, #tpu.memory_space<hbm>> -> memref<8192xi32, #tpu.memory_space<hbm>>
      %dma_start3A_229 = tpu.memref_slice %arg4[%multiple_of3A_5] : memref<262144xi32, #tpu.memory_space<hbm>> -> memref<8192xi32, #tpu.memory_space<hbm>>
      tpu.enqueue_dma source(%dma_start3A_229 : memref<8192xi32, #tpu.memory_space<hbm>>) target(%arg11 : memref<8192xi32, #tpu.memory_space<vmem>>) target_semaphore(%run_scoped3A : memref<!tpu.dma_semaphore, #tpu.memory_space<semaphore_mem>>)
      %dma_wait3A_230 = tpu.memref_slice %arg4[%multiple_of3A_5] : memref<262144xi32, #tpu.memory_space<hbm>> -> memref<8192xi32, #tpu.memory_space<hbm>>
      %dma_wait3A_231 = tpu.memref_slice %arg4[%multiple_of3A_5] : memref<262144xi32, #tpu.memory_space<hbm>> -> memref<8192xi32, #tpu.memory_space<hbm>>
      tpu.wait_dma2 semaphore(%run_scoped3A : memref<!tpu.dma_semaphore, #tpu.memory_space<semaphore_mem>>) src(%dma_wait3A_231 : memref<8192xi32, #tpu.memory_space<hbm>>) dst(%arg11 : memref<8192xi32, #tpu.memory_space<vmem>>)
      tpu.yield
    }) : () -> ()
    %scan3A = arith.constant 0 : i32
    %scan3A_8 = arith.constant 0 : i32
    %scan3A_9 = arith.constant 8 : i32
    %scan3A_10 = arith.addi %scan3A_8, %scan3A_9 : i32
    %scan3A_11 = arith.constant 1 : i32
    %scan3A_12 = scf.for %scan3A_228 = %scan3A_8 to %scan3A_10 step %scan3A_11 iter_args(%scan3A_229 = %scan3A) -> (i32)  : i32 {
      %mul3A_230 = arith.constant 16 : i32
      %mul3A_231 = arith.muli %scan3A_228, %mul3A_230 : i32
      %get3A = arith.index_cast %mul3A_231 : i32 to index
      %get3A_232 = tpu.vector_load %arg10[%get3A] {strides = array<i32>} : memref<128xi32, #tpu.memory_space<vmem>>, vector<16xi32>,
      %mul3A_233 = arith.constant 16 : i32
      %mul3A_234 = arith.muli %scan3A_228, %mul3A_233 : i32
      %add3A_235 = vector.broadcast %mul3A_234 : i32 to vector<16xi32>
      %add3A_236 = arith.addi %add3A_235, %iota3A : vector<16xi32>
      %mul3A_237 = arith.constant 65 : i32
      %mul3A_238 = vector.broadcast %mul3A_237 : i32 to vector<16xi32>
      %mul3A_239 = arith.muli %add3A_236, %mul3A_238 : vector<16xi32>
      tpu.vector_store_idx %arg12[%mul3A_239], %get3A_232 : memref<8320xi32, #tpu.memory_space<vmem>>[vector<16xi32>], vector<16xi32>,
      %scan3A_240 = arith.constant 0 : i32
      scf.yield %scan3A_240 : i32
    }
    %scan3A_13 = arith.constant 8 : i32
    %scan3A_14 = arith.constant 0 : i32
    %scan3A_15 = arith.constant 0 : i32
    %scan3A_16 = arith.constant 128 : i32
    %scan3A_17 = arith.addi %scan3A_15, %scan3A_16 : i32
    %scan3A_18 = arith.constant 1 : i32
    %scan3A_19 = scf.for %scan3A_228 = %scan3A_15 to %scan3A_17 step %scan3A_18 iter_args(%scan3A_229 = %scan3A_14) -> (i32)  : i32 {
      %mul3A_230 = arith.constant 64 : i32
      %mul3A_231 = arith.muli %scan3A_228, %mul3A_230 : i32
      %add3A_232 = arith.constant 0 : i32
      %add3A_233 = arith.addi %mul3A_231, %add3A_232 : i32
      %get3A = arith.index_cast %add3A_233 : i32 to index
      %get3A_234 = tpu.vector_load %arg11[%get3A] {strides = array<i32>} : memref<8192xi32, #tpu.memory_space<vmem>>, vector<16xi32>,
      %mul3A_235 = arith.constant 65 : i32
      %mul3A_236 = arith.muli %scan3A_228, %mul3A_235 : i32
      %add3A_237 = arith.constant 1 : i32
      %add3A_238 = arith.addi %mul3A_236, %add3A_237 : i32
      %add3A_239 = arith.constant 0 : i32
      %add3A_240 = arith.addi %add3A_238, %add3A_239 : i32
      %add3A_241 = vector.broadcast %add3A_240 : i32 to vector<16xi32>
      %add3A_242 = arith.addi %add3A_241, %iota3A : vector<16xi32>
      tpu.vector_store_idx %arg12[%add3A_242], %get3A_234 : memref<8320xi32, #tpu.memory_space<vmem>>[vector<16xi32>], vector<16xi32>,
      %mul3A_243 = arith.constant 64 : i32
      %mul3A_244 = arith.muli %scan3A_228, %mul3A_243 : i32
      %add3A_245 = arith.constant 16 : i32
      %add3A_246 = arith.addi %mul3A_244, %add3A_245 : i32
      %get3A_247 = arith.index_cast %add3A_246 : i32 to index
      %get3A_248 = tpu.vector_load %arg11[%get3A_247] {strides = array<i32>} : memref<8192xi32, #tpu.memory_space<vmem>>, vector<16xi32>,
      %mul3A_249 = arith.constant 65 : i32
      %mul3A_250 = arith.muli %scan3A_228, %mul3A_249 : i32
      %add3A_251 = arith.constant 1 : i32
      %add3A_252 = arith.addi %mul3A_250, %add3A_251 : i32
      %add3A_253 = arith.constant 16 : i32
      %add3A_254 = arith.addi %add3A_252, %add3A_253 : i32
      %add3A_255 = vector.broadcast %add3A_254 : i32 to vector<16xi32>
      %add3A_256 = arith.addi %add3A_255, %iota3A : vector<16xi32>
      tpu.vector_store_idx %arg12[%add3A_256], %get3A_248 : memref<8320xi32, #tpu.memory_space<vmem>>[vector<16xi32>], vector<16xi32>,
      %mul3A_257 = arith.constant 64 : i32
      %mul3A_258 = arith.muli %scan3A_228, %mul3A_257 : i32
      %add3A_259 = arith.constant 32 : i32
      %add3A_260 = arith.addi %mul3A_258, %add3A_259 : i32
      %get3A_261 = arith.index_cast %add3A_260 : i32 to index
      %get3A_262 = tpu.vector_load %arg11[%get3A_261] {strides = array<i32>} : memref<8192xi32, #tpu.memory_space<vmem>>, vector<16xi32>,
      %mul3A_263 = arith.constant 65 : i32
      %mul3A_264 = arith.muli %scan3A_228, %mul3A_263 : i32
      %add3A_265 = arith.constant 1 : i32
      %add3A_266 = arith.addi %mul3A_264, %add3A_265 : i32
      %add3A_267 = arith.constant 32 : i32
      %add3A_268 = arith.addi %add3A_266, %add3A_267 : i32
      %add3A_269 = vector.broadcast %add3A_268 : i32 to vector<16xi32>
      %add3A_270 = arith.addi %add3A_269, %iota3A : vector<16xi32>
      tpu.vector_store_idx %arg12[%add3A_270], %get3A_262 : memref<8320xi32, #tpu.memory_space<vmem>>[vector<16xi32>], vector<16xi32>,
      %mul3A_271 = arith.constant 64 : i32
      %mul3A_272 = arith.muli %scan3A_228, %mul3A_271 : i32
      %add3A_273 = arith.constant 48 : i32
      %add3A_274 = arith.addi %mul3A_272, %add3A_273 : i32
      %get3A_275 = arith.index_cast %add3A_274 : i32 to index
      %get3A_276 = tpu.vector_load %arg11[%get3A_275] {strides = array<i32>} : memref<8192xi32, #tpu.memory_space<vmem>>, vector<16xi32>,
      %mul3A_277 = arith.constant 65 : i32
      %mul3A_278 = arith.muli %scan3A_228, %mul3A_277 : i32
      %add3A_279 = arith.constant 1 : i32
      %add3A_280 = arith.addi %mul3A_278, %add3A_279 : i32
      %add3A_281 = arith.constant 48 : i32
      %add3A_282 = arith.addi %add3A_280, %add3A_281 : i32
      %add3A_283 = vector.broadcast %add3A_282 : i32 to vector<16xi32>
      %add3A_284 = arith.addi %add3A_283, %iota3A : vector<16xi32>
      tpu.vector_store_idx %arg12[%add3A_284], %get3A_276 : memref<8320xi32, #tpu.memory_space<vmem>>[vector<16xi32>], vector<16xi32>,
      %scan3A_285 = arith.constant 0 : i32
      scf.yield %scan3A_285 : i32
    }
    %scan3A_20 = arith.constant 128 : i32
    %multiple_of3A_21 = arith.constant 0 : i32
    %multiple_of3A_22 = tpu.assume_multiple %multiple_of3A_21, 8 : i32
    %dma_start3A_23 = arith.constant 0 : i32
    %dma_start3A_24 = arith.constant 0 : i32
    %dma_start3A_25 = tpu.memref_slice %arg14[%dma_start3A_23, %dma_start3A_24] : memref<520x64xf32, #tpu.memory_space<vmem>> -> memref<104x64xf32, #tpu.memory_space<vmem>>
    %dma_start3A_26 = tpu.memref_slice %arg12[%multiple_of3A_22] : memref<8320xi32, #tpu.memory_space<vmem>> -> memref<104xi32, #tpu.memory_space<vmem>>
    %dma_start3A_27 = arith.constant 0 : i32
    %dma_start3A_28 = arith.constant 0 : i32
    %dma_start3A_29 = tpu.memref_slice %arg6[%dma_start3A_27, %dma_start3A_28] : memref<100000x64xf32, #tpu.memory_space<hbm>> -> memref<100000x64xf32, #tpu.memory_space<hbm>>
    tpu.enqueue_indirect_dma source(%dma_start3A_29 : memref<100000x64xf32, #tpu.memory_space<hbm>>) target(%dma_start3A_25 : memref<104x64xf32, #tpu.memory_space<vmem>>) offsets(%dma_start3A_26 : memref<104xi32, #tpu.memory_space<vmem>>) semaphore(%arg20 : memref<!tpu.dma_semaphore, #tpu.memory_space<semaphore_mem>>)
    %dma_start3A_30 = arith.constant 0 : i32
    %dma_start3A_31 = tpu.memref_slice %arg16[%dma_start3A_30] : memref<520xf32, #tpu.memory_space<vmem>> -> memref<104xf32, #tpu.memory_space<vmem>>
    %dma_start3A_32 = tpu.memref_slice %arg12[%multiple_of3A_22] : memref<8320xi32, #tpu.memory_space<vmem>> -> memref<104xi32, #tpu.memory_space<vmem>>
    %dma_start3A_33 = arith.constant 0 : i32
    %dma_start3A_34 = tpu.memref_slice %arg7[%dma_start3A_33] : memref<100000xf32, #tpu.memory_space<hbm>> -> memref<100000xf32, #tpu.memory_space<hbm>>
    tpu.enqueue_indirect_dma source(%dma_start3A_34 : memref<100000xf32, #tpu.memory_space<hbm>>) target(%dma_start3A_31 : memref<104xf32, #tpu.memory_space<vmem>>) offsets(%dma_start3A_32 : memref<104xi32, #tpu.memory_space<vmem>>) semaphore(%arg22 : memref<!tpu.dma_semaphore, #tpu.memory_space<semaphore_mem>>)
    %multiple_of3A_35 = arith.constant 104 : i32
    %multiple_of3A_36 = tpu.assume_multiple %multiple_of3A_35, 8 : i32
    %dma_start3A_37 = arith.constant 104 : i32
    %dma_start3A_38 = arith.constant 0 : i32
    %dma_start3A_39 = tpu.memref_slice %arg14[%dma_start3A_37, %dma_start3A_38] : memref<520x64xf32, #tpu.memory_space<vmem>> -> memref<104x64xf32, #tpu.memory_space<vmem>>
    %dma_start3A_40 = tpu.memref_slice %arg12[%multiple_of3A_36] : memref<8320xi32, #tpu.memory_space<vmem>> -> memref<104xi32, #tpu.memory_space<vmem>>
    %dma_start3A_41 = arith.constant 0 : i32
    %dma_start3A_42 = arith.constant 0 : i32
    %dma_start3A_43 = tpu.memref_slice %arg6[%dma_start3A_41, %dma_start3A_42] : memref<100000x64xf32, #tpu.memory_space<hbm>> -> memref<100000x64xf32, #tpu.memory_space<hbm>>
    tpu.enqueue_indirect_dma source(%dma_start3A_43 : memref<100000x64xf32, #tpu.memory_space<hbm>>) target(%dma_start3A_39 : memref<104x64xf32, #tpu.memory_space<vmem>>) offsets(%dma_start3A_40 : memref<104xi32, #tpu.memory_space<vmem>>) semaphore(%arg20 : memref<!tpu.dma_semaphore, #tpu.memory_space<semaphore_mem>>)
    %dma_start3A_44 = arith.constant 104 : i32
    %dma_start3A_45 = tpu.memref_slice %arg16[%dma_start3A_44] : memref<520xf32, #tpu.memory_space<vmem>> -> memref<104xf32, #tpu.memory_space<vmem>>
    %dma_start3A_46 = tpu.memref_slice %arg12[%multiple_of3A_36] : memref<8320xi32, #tpu.memory_space<vmem>> -> memref<104xi32, #tpu.memory_space<vmem>>
    %dma_start3A_47 = arith.constant 0 : i32
    %dma_start3A_48 = tpu.memref_slice %arg7[%dma_start3A_47] : memref<100000xf32, #tpu.memory_space<hbm>> -> memref<100000xf32, #tpu.memory_space<hbm>>
    tpu.enqueue_indirect_dma source(%dma_start3A_48 : memref<100000xf32, #tpu.memory_space<hbm>>) target(%dma_start3A_45 : memref<104xf32, #tpu.memory_space<vmem>>) offsets(%dma_start3A_46 : memref<104xi32, #tpu.memory_space<vmem>>) semaphore(%arg22 : memref<!tpu.dma_semaphore, #tpu.memory_space<semaphore_mem>>)
    %multiple_of3A_49 = arith.constant 208 : i32
    %multiple_of3A_50 = tpu.assume_multiple %multiple_of3A_49, 8 : i32
    %dma_start3A_51 = arith.constant 208 : i32
    %dma_start3A_52 = arith.constant 0 : i32
    %dma_start3A_53 = tpu.memref_slice %arg14[%dma_start3A_51, %dma_start3A_52] : memref<520x64xf32, #tpu.memory_space<vmem>> -> memref<104x64xf32, #tpu.memory_space<vmem>>
    %dma_start3A_54 = tpu.memref_slice %arg12[%multiple_of3A_50] : memref<8320xi32, #tpu.memory_space<vmem>> -> memref<104xi32, #tpu.memory_space<vmem>>
    %dma_start3A_55 = arith.constant 0 : i32
    %dma_start3A_56 = arith.constant 0 : i32
    %dma_start3A_57 = tpu.memref_slice %arg6[%dma_start3A_55, %dma_start3A_56] : memref<100000x64xf32, #tpu.memory_space<hbm>> -> memref<100000x64xf32, #tpu.memory_space<hbm>>
    tpu.enqueue_indirect_dma source(%dma_start3A_57 : memref<100000x64xf32, #tpu.memory_space<hbm>>) target(%dma_start3A_53 : memref<104x64xf32, #tpu.memory_space<vmem>>) offsets(%dma_start3A_54 : memref<104xi32, #tpu.memory_space<vmem>>) semaphore(%arg20 : memref<!tpu.dma_semaphore, #tpu.memory_space<semaphore_mem>>)
    %dma_start3A_58 = arith.constant 208 : i32
    %dma_start3A_59 = tpu.memref_slice %arg16[%dma_start3A_58] : memref<520xf32, #tpu.memory_space<vmem>> -> memref<104xf32, #tpu.memory_space<vmem>>
    %dma_start3A_60 = tpu.memref_slice %arg12[%multiple_of3A_50] : memref<8320xi32, #tpu.memory_space<vmem>> -> memref<104xi32, #tpu.memory_space<vmem>>
    %dma_start3A_61 = arith.constant 0 : i32
    %dma_start3A_62 = tpu.memref_slice %arg7[%dma_start3A_61] : memref<100000xf32, #tpu.memory_space<hbm>> -> memref<100000xf32, #tpu.memory_space<hbm>>
    tpu.enqueue_indirect_dma source(%dma_start3A_62 : memref<100000xf32, #tpu.memory_space<hbm>>) target(%dma_start3A_59 : memref<104xf32, #tpu.memory_space<vmem>>) offsets(%dma_start3A_60 : memref<104xi32, #tpu.memory_space<vmem>>) semaphore(%arg22 : memref<!tpu.dma_semaphore, #tpu.memory_space<semaphore_mem>>)
    %multiple_of3A_63 = arith.constant 312 : i32
    %multiple_of3A_64 = tpu.assume_multiple %multiple_of3A_63, 8 : i32
    %dma_start3A_65 = arith.constant 312 : i32
    %dma_start3A_66 = arith.constant 0 : i32
    %dma_start3A_67 = tpu.memref_slice %arg14[%dma_start3A_65, %dma_start3A_66] : memref<520x64xf32, #tpu.memory_space<vmem>> -> memref<104x64xf32, #tpu.memory_space<vmem>>
    %dma_start3A_68 = tpu.memref_slice %arg12[%multiple_of3A_64] : memref<8320xi32, #tpu.memory_space<vmem>> -> memref<104xi32, #tpu.memory_space<vmem>>
    %dma_start3A_69 = arith.constant 0 : i32
    %dma_start3A_70 = arith.constant 0 : i32
    %dma_start3A_71 = tpu.memref_slice %arg6[%dma_start3A_69, %dma_start3A_70] : memref<100000x64xf32, #tpu.memory_space<hbm>> -> memref<100000x64xf32, #tpu.memory_space<hbm>>
    tpu.enqueue_indirect_dma source(%dma_start3A_71 : memref<100000x64xf32, #tpu.memory_space<hbm>>) target(%dma_start3A_67 : memref<104x64xf32, #tpu.memory_space<vmem>>) offsets(%dma_start3A_68 : memref<104xi32, #tpu.memory_space<vmem>>) semaphore(%arg20 : memref<!tpu.dma_semaphore, #tpu.memory_space<semaphore_mem>>)
    %dma_start3A_72 = arith.constant 312 : i32
    %dma_start3A_73 = tpu.memref_slice %arg16[%dma_start3A_72] : memref<520xf32, #tpu.memory_space<vmem>> -> memref<104xf32, #tpu.memory_space<vmem>>
    %dma_start3A_74 = tpu.memref_slice %arg12[%multiple_of3A_64] : memref<8320xi32, #tpu.memory_space<vmem>> -> memref<104xi32, #tpu.memory_space<vmem>>
    %dma_start3A_75 = arith.constant 0 : i32
    %dma_start3A_76 = tpu.memref_slice %arg7[%dma_start3A_75] : memref<100000xf32, #tpu.memory_space<hbm>> -> memref<100000xf32, #tpu.memory_space<hbm>>
    tpu.enqueue_indirect_dma source(%dma_start3A_76 : memref<100000xf32, #tpu.memory_space<hbm>>) target(%dma_start3A_73 : memref<104xf32, #tpu.memory_space<vmem>>) offsets(%dma_start3A_74 : memref<104xi32, #tpu.memory_space<vmem>>) semaphore(%arg22 : memref<!tpu.dma_semaphore, #tpu.memory_space<semaphore_mem>>)
    %multiple_of3A_77 = arith.constant 416 : i32
    %multiple_of3A_78 = tpu.assume_multiple %multiple_of3A_77, 8 : i32
    %dma_start3A_79 = arith.constant 416 : i32
    %dma_start3A_80 = arith.constant 0 : i32
    %dma_start3A_81 = tpu.memref_slice %arg14[%dma_start3A_79, %dma_start3A_80] : memref<520x64xf32, #tpu.memory_space<vmem>> -> memref<104x64xf32, #tpu.memory_space<vmem>>
    %dma_start3A_82 = tpu.memref_slice %arg12[%multiple_of3A_78] : memref<8320xi32, #tpu.memory_space<vmem>> -> memref<104xi32, #tpu.memory_space<vmem>>
    %dma_start3A_83 = arith.constant 0 : i32
    %dma_start3A_84 = arith.constant 0 : i32
    %dma_start3A_85 = tpu.memref_slice %arg6[%dma_start3A_83, %dma_start3A_84] : memref<100000x64xf32, #tpu.memory_space<hbm>> -> memref<100000x64xf32, #tpu.memory_space<hbm>>
    tpu.enqueue_indirect_dma source(%dma_start3A_85 : memref<100000x64xf32, #tpu.memory_space<hbm>>) target(%dma_start3A_81 : memref<104x64xf32, #tpu.memory_space<vmem>>) offsets(%dma_start3A_82 : memref<104xi32, #tpu.memory_space<vmem>>) semaphore(%arg20 : memref<!tpu.dma_semaphore, #tpu.memory_space<semaphore_mem>>)
    %dma_start3A_86 = arith.constant 416 : i32
    %dma_start3A_87 = tpu.memref_slice %arg16[%dma_start3A_86] : memref<520xf32, #tpu.memory_space<vmem>> -> memref<104xf32, #tpu.memory_space<vmem>>
    %dma_start3A_88 = tpu.memref_slice %arg12[%multiple_of3A_78] : memref<8320xi32, #tpu.memory_space<vmem>> -> memref<104xi32, #tpu.memory_space<vmem>>
    %dma_start3A_89 = arith.constant 0 : i32
    %dma_start3A_90 = tpu.memref_slice %arg7[%dma_start3A_89] : memref<100000xf32, #tpu.memory_space<hbm>> -> memref<100000xf32, #tpu.memory_space<hbm>>
    tpu.enqueue_indirect_dma source(%dma_start3A_90 : memref<100000xf32, #tpu.memory_space<hbm>>) target(%dma_start3A_87 : memref<104xf32, #tpu.memory_space<vmem>>) offsets(%dma_start3A_88 : memref<104xi32, #tpu.memory_space<vmem>>) semaphore(%arg22 : memref<!tpu.dma_semaphore, #tpu.memory_space<semaphore_mem>>)
    %multiple_of3A_91 = arith.constant 520 : i32
    %multiple_of3A_92 = tpu.assume_multiple %multiple_of3A_91, 8 : i32
    %dma_start3A_93 = arith.constant 0 : i32
    %dma_start3A_94 = arith.constant 0 : i32
    %dma_start3A_95 = tpu.memref_slice %arg15[%dma_start3A_93, %dma_start3A_94] : memref<520x64xf32, #tpu.memory_space<vmem>> -> memref<104x64xf32, #tpu.memory_space<vmem>>
    %dma_start3A_96 = tpu.memref_slice %arg12[%multiple_of3A_92] : memref<8320xi32, #tpu.memory_space<vmem>> -> memref<104xi32, #tpu.memory_space<vmem>>
    %dma_start3A_97 = arith.constant 0 : i32
    %dma_start3A_98 = arith.constant 0 : i32
    %dma_start3A_99 = tpu.memref_slice %arg6[%dma_start3A_97, %dma_start3A_98] : memref<100000x64xf32, #tpu.memory_space<hbm>> -> memref<100000x64xf32, #tpu.memory_space<hbm>>
    tpu.enqueue_indirect_dma source(%dma_start3A_99 : memref<100000x64xf32, #tpu.memory_space<hbm>>) target(%dma_start3A_95 : memref<104x64xf32, #tpu.memory_space<vmem>>) offsets(%dma_start3A_96 : memref<104xi32, #tpu.memory_space<vmem>>) semaphore(%arg21 : memref<!tpu.dma_semaphore, #tpu.memory_space<semaphore_mem>>)
    %dma_start3A_100 = arith.constant 0 : i32
    %dma_start3A_101 = tpu.memref_slice %arg17[%dma_start3A_100] : memref<520xf32, #tpu.memory_space<vmem>> -> memref<104xf32, #tpu.memory_space<vmem>>
    %dma_start3A_102 = tpu.memref_slice %arg12[%multiple_of3A_92] : memref<8320xi32, #tpu.memory_space<vmem>> -> memref<104xi32, #tpu.memory_space<vmem>>
    %dma_start3A_103 = arith.constant 0 : i32
    %dma_start3A_104 = tpu.memref_slice %arg7[%dma_start3A_103] : memref<100000xf32, #tpu.memory_space<hbm>> -> memref<100000xf32, #tpu.memory_space<hbm>>
    tpu.enqueue_indirect_dma source(%dma_start3A_104 : memref<100000xf32, #tpu.memory_space<hbm>>) target(%dma_start3A_101 : memref<104xf32, #tpu.memory_space<vmem>>) offsets(%dma_start3A_102 : memref<104xi32, #tpu.memory_space<vmem>>) semaphore(%arg23 : memref<!tpu.dma_semaphore, #tpu.memory_space<semaphore_mem>>)
    %multiple_of3A_105 = arith.constant 624 : i32
    %multiple_of3A_106 = tpu.assume_multiple %multiple_of3A_105, 8 : i32
    %dma_start3A_107 = arith.constant 104 : i32
    %dma_start3A_108 = arith.constant 0 : i32
    %dma_start3A_109 = tpu.memref_slice %arg15[%dma_start3A_107, %dma_start3A_108] : memref<520x64xf32, #tpu.memory_space<vmem>> -> memref<104x64xf32, #tpu.memory_space<vmem>>
    %dma_start3A_110 = tpu.memref_slice %arg12[%multiple_of3A_106] : memref<8320xi32, #tpu.memory_space<vmem>> -> memref<104xi32, #tpu.memory_space<vmem>>
    %dma_start3A_111 = arith.constant 0 : i32
    %dma_start3A_112 = arith.constant 0 : i32
    %dma_start3A_113 = tpu.memref_slice %arg6[%dma_start3A_111, %dma_start3A_112] : memref<100000x64xf32, #tpu.memory_space<hbm>> -> memref<100000x64xf32, #tpu.memory_space<hbm>>
    tpu.enqueue_indirect_dma source(%dma_start3A_113 : memref<100000x64xf32, #tpu.memory_space<hbm>>) target(%dma_start3A_109 : memref<104x64xf32, #tpu.memory_space<vmem>>) offsets(%dma_start3A_110 : memref<104xi32, #tpu.memory_space<vmem>>) semaphore(%arg21 : memref<!tpu.dma_semaphore, #tpu.memory_space<semaphore_mem>>)
    %dma_start3A_114 = arith.constant 104 : i32
    %dma_start3A_115 = tpu.memref_slice %arg17[%dma_start3A_114] : memref<520xf32, #tpu.memory_space<vmem>> -> memref<104xf32, #tpu.memory_space<vmem>>
    %dma_start3A_116 = tpu.memref_slice %arg12[%multiple_of3A_106] : memref<8320xi32, #tpu.memory_space<vmem>> -> memref<104xi32, #tpu.memory_space<vmem>>
    %dma_start3A_117 = arith.constant 0 : i32
    %dma_start3A_118 = tpu.memref_slice %arg7[%dma_start3A_117] : memref<100000xf32, #tpu.memory_space<hbm>> -> memref<100000xf32, #tpu.memory_space<hbm>>
    tpu.enqueue_indirect_dma source(%dma_start3A_118 : memref<100000xf32, #tpu.memory_space<hbm>>) target(%dma_start3A_115 : memref<104xf32, #tpu.memory_space<vmem>>) offsets(%dma_start3A_116 : memref<104xi32, #tpu.memory_space<vmem>>) semaphore(%arg23 : memref<!tpu.dma_semaphore, #tpu.memory_space<semaphore_mem>>)
    %multiple_of3A_119 = arith.constant 728 : i32
    %multiple_of3A_120 = tpu.assume_multiple %multiple_of3A_119, 8 : i32
    %dma_start3A_121 = arith.constant 208 : i32
    %dma_start3A_122 = arith.constant 0 : i32
    %dma_start3A_123 = tpu.memref_slice %arg15[%dma_start3A_121, %dma_start3A_122] : memref<520x64xf32, #tpu.memory_space<vmem>> -> memref<104x64xf32, #tpu.memory_space<vmem>>
    %dma_start3A_124 = tpu.memref_slice %arg12[%multiple_of3A_120] : memref<8320xi32, #tpu.memory_space<vmem>> -> memref<104xi32, #tpu.memory_space<vmem>>
    %dma_start3A_125 = arith.constant 0 : i32
    %dma_start3A_126 = arith.constant 0 : i32
    %dma_start3A_127 = tpu.memref_slice %arg6[%dma_start3A_125, %dma_start3A_126] : memref<100000x64xf32, #tpu.memory_space<hbm>> -> memref<100000x64xf32, #tpu.memory_space<hbm>>
    tpu.enqueue_indirect_dma source(%dma_start3A_127 : memref<100000x64xf32, #tpu.memory_space<hbm>>) target(%dma_start3A_123 : memref<104x64xf32, #tpu.memory_space<vmem>>) offsets(%dma_start3A_124 : memref<104xi32, #tpu.memory_space<vmem>>) semaphore(%arg21 : memref<!tpu.dma_semaphore, #tpu.memory_space<semaphore_mem>>)
    %dma_start3A_128 = arith.constant 208 : i32
    %dma_start3A_129 = tpu.memref_slice %arg17[%dma_start3A_128] : memref<520xf32, #tpu.memory_space<vmem>> -> memref<104xf32, #tpu.memory_space<vmem>>
    %dma_start3A_130 = tpu.memref_slice %arg12[%multiple_of3A_120] : memref<8320xi32, #tpu.memory_space<vmem>> -> memref<104xi32, #tpu.memory_space<vmem>>
    %dma_start3A_131 = arith.constant 0 : i32
    %dma_start3A_132 = tpu.memref_slice %arg7[%dma_start3A_131] : memref<100000xf32, #tpu.memory_space<hbm>> -> memref<100000xf32, #tpu.memory_space<hbm>>
    tpu.enqueue_indirect_dma source(%dma_start3A_132 : memref<100000xf32, #tpu.memory_space<hbm>>) target(%dma_start3A_129 : memref<104xf32, #tpu.memory_space<vmem>>) offsets(%dma_start3A_130 : memref<104xi32, #tpu.memory_space<vmem>>) semaphore(%arg23 : memref<!tpu.dma_semaphore, #tpu.memory_space<semaphore_mem>>)
    %multiple_of3A_133 = arith.constant 832 : i32
    %multiple_of3A_134 = tpu.assume_multiple %multiple_of3A_133, 8 : i32
    %dma_start3A_135 = arith.constant 312 : i32
    %dma_start3A_136 = arith.constant 0 : i32
    %dma_start3A_137 = tpu.memref_slice %arg15[%dma_start3A_135, %dma_start3A_136] : memref<520x64xf32, #tpu.memory_space<vmem>> -> memref<104x64xf32, #tpu.memory_space<vmem>>
    %dma_start3A_138 = tpu.memref_slice %arg12[%multiple_of3A_134] : memref<8320xi32, #tpu.memory_space<vmem>> -> memref<104xi32, #tpu.memory_space<vmem>>
    %dma_start3A_139 = arith.constant 0 : i32
    %dma_start3A_140 = arith.constant 0 : i32
    %dma_start3A_141 = tpu.memref_slice %arg6[%dma_start3A_139, %dma_start3A_140] : memref<100000x64xf32, #tpu.memory_space<hbm>> -> memref<100000x64xf32, #tpu.memory_space<hbm>>
    tpu.enqueue_indirect_dma source(%dma_start3A_141 : memref<100000x64xf32, #tpu.memory_space<hbm>>) target(%dma_start3A_137 : memref<104x64xf32, #tpu.memory_space<vmem>>) offsets(%dma_start3A_138 : memref<104xi32, #tpu.memory_space<vmem>>) semaphore(%arg21 : memref<!tpu.dma_semaphore, #tpu.memory_space<semaphore_mem>>)
    %dma_start3A_142 = arith.constant 312 : i32
    %dma_start3A_143 = tpu.memref_slice %arg17[%dma_start3A_142] : memref<520xf32, #tpu.memory_space<vmem>> -> memref<104xf32, #tpu.memory_space<vmem>>
    %dma_start3A_144 = tpu.memref_slice %arg12[%multiple_of3A_134] : memref<8320xi32, #tpu.memory_space<vmem>> -> memref<104xi32, #tpu.memory_space<vmem>>
    %dma_start3A_145 = arith.constant 0 : i32
    %dma_start3A_146 = tpu.memref_slice %arg7[%dma_start3A_145] : memref<100000xf32, #tpu.memory_space<hbm>> -> memref<100000xf32, #tpu.memory_space<hbm>>
    tpu.enqueue_indirect_dma source(%dma_start3A_146 : memref<100000xf32, #tpu.memory_space<hbm>>) target(%dma_start3A_143 : memref<104xf32, #tpu.memory_space<vmem>>) offsets(%dma_start3A_144 : memref<104xi32, #tpu.memory_space<vmem>>) semaphore(%arg23 : memref<!tpu.dma_semaphore, #tpu.memory_space<semaphore_mem>>)
    %multiple_of3A_147 = arith.constant 936 : i32
    %multiple_of3A_148 = tpu.assume_multiple %multiple_of3A_147, 8 : i32
    %dma_start3A_149 = arith.constant 416 : i32
    %dma_start3A_150 = arith.constant 0 : i32
    %dma_start3A_151 = tpu.memref_slice %arg15[%dma_start3A_149, %dma_start3A_150] : memref<520x64xf32, #tpu.memory_space<vmem>> -> memref<104x64xf32, #tpu.memory_space<vmem>>
    %dma_start3A_152 = tpu.memref_slice %arg12[%multiple_of3A_148] : memref<8320xi32, #tpu.memory_space<vmem>> -> memref<104xi32, #tpu.memory_space<vmem>>
    %dma_start3A_153 = arith.constant 0 : i32
    %dma_start3A_154 = arith.constant 0 : i32
    %dma_start3A_155 = tpu.memref_slice %arg6[%dma_start3A_153, %dma_start3A_154] : memref<100000x64xf32, #tpu.memory_space<hbm>> -> memref<100000x64xf32, #tpu.memory_space<hbm>>
    tpu.enqueue_indirect_dma source(%dma_start3A_155 : memref<100000x64xf32, #tpu.memory_space<hbm>>) target(%dma_start3A_151 : memref<104x64xf32, #tpu.memory_space<vmem>>) offsets(%dma_start3A_152 : memref<104xi32, #tpu.memory_space<vmem>>) semaphore(%arg21 : memref<!tpu.dma_semaphore, #tpu.memory_space<semaphore_mem>>)
    %dma_start3A_156 = arith.constant 416 : i32
    %dma_start3A_157 = tpu.memref_slice %arg17[%dma_start3A_156] : memref<520xf32, #tpu.memory_space<vmem>> -> memref<104xf32, #tpu.memory_space<vmem>>
    %dma_start3A_158 = tpu.memref_slice %arg12[%multiple_of3A_148] : memref<8320xi32, #tpu.memory_space<vmem>> -> memref<104xi32, #tpu.memory_space<vmem>>
    %dma_start3A_159 = arith.constant 0 : i32
    %dma_start3A_160 = tpu.memref_slice %arg7[%dma_start3A_159] : memref<100000xf32, #tpu.memory_space<hbm>> -> memref<100000xf32, #tpu.memory_space<hbm>>
    tpu.enqueue_indirect_dma source(%dma_start3A_160 : memref<100000xf32, #tpu.memory_space<hbm>>) target(%dma_start3A_157 : memref<104xf32, #tpu.memory_space<vmem>>) offsets(%dma_start3A_158 : memref<104xi32, #tpu.memory_space<vmem>>) semaphore(%arg23 : memref<!tpu.dma_semaphore, #tpu.memory_space<semaphore_mem>>)
    %dma_wait3A = arith.constant 0 : i32
    %dma_wait3A_161 = arith.constant 0 : i32
    %dma_wait3A_162 = tpu.memref_slice %arg5[%dma_wait3A, %dma_wait3A_161] : memref<100000x64xf32, #tpu.memory_space<hbm>> -> memref<100000x64xf32, #tpu.memory_space<hbm>>
    tpu.wait_indirect_dma semaphore(%arg19 : memref<!tpu.dma_semaphore, #tpu.memory_space<semaphore_mem>>) src(%dma_wait3A_162 : memref<100000x64xf32, #tpu.memory_space<hbm>>) dst(%arg13 : memref<128x64xf32, #tpu.memory_space<vmem>>)
    %add3A_163 = arith.constant 0 : i32
    %add3A_164 = vector.broadcast %add3A_163 : i32 to vector<16xi32>
    %add3A_165 = arith.addi %add3A_164, %iota3A : vector<16xi32>
    %lt3A = arith.constant 65 : i32
    %lt3A_166 = vector.broadcast %lt3A : i32 to vector<16xi32>
    %lt3A_167 = arith.cmpi slt, %add3A_165, %lt3A_166 : vector<16xi32>
    %min3A = arith.constant 64 : i32
    %min3A_168 = vector.broadcast %min3A : i32 to vector<16xi32>
    %min3A_169 = arith.minsi %add3A_165, %min3A_168 : vector<16xi32>
    %min3A_170 = arith.constant 64 : i32
    %min3A_171 = vector.broadcast %min3A_170 : i32 to vector<16xi32>
    %min3A_172 = arith.minsi %add3A_165, %min3A_171 : vector<16xi32>
    %add3A_173 = arith.constant 16 : i32
    %add3A_174 = vector.broadcast %add3A_173 : i32 to vector<16xi32>
    %add3A_175 = arith.addi %add3A_174, %iota3A : vector<16xi32>
    %lt3A_176 = arith.constant 65 : i32
    %lt3A_177 = vector.broadcast %lt3A_176 : i32 to vector<16xi32>
    %lt3A_178 = arith.cmpi slt, %add3A_175, %lt3A_177 : vector<16xi32>
    %min3A_179 = arith.constant 64 : i32
    %min3A_180 = vector.broadcast %min3A_179 : i32 to vector<16xi32>
    %min3A_181 = arith.minsi %add3A_175, %min3A_180 : vector<16xi32>
    %min3A_182 = arith.constant 64 : i32
    %min3A_183 = vector.broadcast %min3A_182 : i32 to vector<16xi32>
    %min3A_184 = arith.minsi %add3A_175, %min3A_183 : vector<16xi32>
    %add3A_185 = arith.constant 32 : i32
    %add3A_186 = vector.broadcast %add3A_185 : i32 to vector<16xi32>
    %add3A_187 = arith.addi %add3A_186, %iota3A : vector<16xi32>
    %lt3A_188 = arith.constant 65 : i32
    %lt3A_189 = vector.broadcast %lt3A_188 : i32 to vector<16xi32>
    %lt3A_190 = arith.cmpi slt, %add3A_187, %lt3A_189 : vector<16xi32>
    %min3A_191 = arith.constant 64 : i32
    %min3A_192 = vector.broadcast %min3A_191 : i32 to vector<16xi32>
    %min3A_193 = arith.minsi %add3A_187, %min3A_192 : vector<16xi32>
    %min3A_194 = arith.constant 64 : i32
    %min3A_195 = vector.broadcast %min3A_194 : i32 to vector<16xi32>
    %min3A_196 = arith.minsi %add3A_187, %min3A_195 : vector<16xi32>
    %add3A_197 = arith.constant 48 : i32
    %add3A_198 = vector.broadcast %add3A_197 : i32 to vector<16xi32>
    %add3A_199 = arith.addi %add3A_198, %iota3A : vector<16xi32>
    %lt3A_200 = arith.constant 65 : i32
    %lt3A_201 = vector.broadcast %lt3A_200 : i32 to vector<16xi32>
    %lt3A_202 = arith.cmpi slt, %add3A_199, %lt3A_201 : vector<16xi32>
    %min3A_203 = arith.constant 64 : i32
    %min3A_204 = vector.broadcast %min3A_203 : i32 to vector<16xi32>
    %min3A_205 = arith.minsi %add3A_199, %min3A_204 : vector<16xi32>
    %min3A_206 = arith.constant 64 : i32
    %min3A_207 = vector.broadcast %min3A_206 : i32 to vector<16xi32>
    %min3A_208 = arith.minsi %add3A_199, %min3A_207 : vector<16xi32>
    %add3A_209 = arith.constant 64 : i32
    %add3A_210 = vector.broadcast %add3A_209 : i32 to vector<16xi32>
    %add3A_211 = arith.addi %add3A_210, %iota3A : vector<16xi32>
    %lt3A_212 = arith.constant 65 : i32
    %lt3A_213 = vector.broadcast %lt3A_212 : i32 to vector<16xi32>
    %lt3A_214 = arith.cmpi slt, %add3A_211, %lt3A_213 : vector<16xi32>
    %min3A_215 = arith.constant 64 : i32
    %min3A_216 = vector.broadcast %min3A_215 : i32 to vector<16xi32>
    %min3A_217 = arith.minsi %add3A_211, %min3A_216 : vector<16xi32>
    %min3A_218 = arith.constant 64 : i32
    %min3A_219 = vector.broadcast %min3A_218 : i32 to vector<16xi32>
    %min3A_220 = arith.minsi %add3A_211, %min3A_219 : vector<16xi32>
    %scan3A_221 = arith.constant 0 : i32
    %scan3A_222 = arith.constant 0 : i32
    %scan3A_223 = arith.constant 8 : i32
    %scan3A_224 = arith.addi %scan3A_222, %scan3A_223 : i32
    %scan3A_225 = arith.constant 1 : i32
    %scan3A_226 = scf.for %scan3A_228 = %scan3A_222 to %scan3A_224 step %scan3A_225 iter_args(%scan3A_229 = %scan3A_221) -> (i32)  : i32 {
      %mul3A_230 = arith.constant 2 : i32
      %mul3A_231 = arith.muli %scan3A_228, %mul3A_230 : i32
      %add3A_232 = arith.constant 0 : i32
      %add3A_233 = arith.addi %mul3A_231, %add3A_232 : i32
      %dma_wait3A_234 = arith.constant 0 : i32
      %dma_wait3A_235 = arith.constant 0 : i32
      %dma_wait3A_236 = tpu.memref_slice %arg6[%dma_wait3A_234, %dma_wait3A_235] : memref<100000x64xf32, #tpu.memory_space<hbm>> -> memref<520x64xf32, #tpu.memory_space<hbm>>
      %dma_wait3A_237 = arith.constant 0 : i32
      %dma_wait3A_238 = arith.constant 0 : i32
      %dma_wait3A_239 = tpu.memref_slice %arg6[%dma_wait3A_237, %dma_wait3A_238] : memref<100000x64xf32, #tpu.memory_space<hbm>> -> memref<520x64xf32, #tpu.memory_space<hbm>>
      tpu.wait_dma2 semaphore(%arg20 : memref<!tpu.dma_semaphore, #tpu.memory_space<semaphore_mem>>) src(%dma_wait3A_239 : memref<520x64xf32, #tpu.memory_space<hbm>>) dst(%arg14 : memref<520x64xf32, #tpu.memory_space<vmem>>)
      %dma_wait3A_240 = arith.constant 0 : i32
      %dma_wait3A_241 = tpu.memref_slice %arg7[%dma_wait3A_240] : memref<100000xf32, #tpu.memory_space<hbm>> -> memref<520xf32, #tpu.memory_space<hbm>>
      %dma_wait3A_242 = arith.constant 0 : i32
      %dma_wait3A_243 = tpu.memref_slice %arg7[%dma_wait3A_242] : memref<100000xf32, #tpu.memory_space<hbm>> -> memref<520xf32, #tpu.memory_space<hbm>>
      tpu.wait_dma2 semaphore(%arg22 : memref<!tpu.dma_semaphore, #tpu.memory_space<semaphore_mem>>) src(%dma_wait3A_243 : memref<520xf32, #tpu.memory_space<hbm>>) dst(%arg16 : memref<520xf32, #tpu.memory_space<vmem>>)
      %scan3A_244 = arith.constant 0 : i32
      %scan3A_245 = arith.constant 0 : i32
      %scan3A_246 = arith.constant 8 : i32
      %scan3A_247 = arith.addi %scan3A_245, %scan3A_246 : i32
      %scan3A_248 = arith.constant 1 : i32
      %scan3A_249 = scf.for %scan3A_285 = %scan3A_245 to %scan3A_247 step %scan3A_248 iter_args(%scan3A_286 = %scan3A_244) -> (i32)  : i32 {
        %mul3A_287 = arith.constant 65 : i32
        %mul3A_288 = arith.muli %scan3A_285, %mul3A_287 : i32
        %add3A_289 = vector.broadcast %mul3A_288 : i32 to vector<16xi32>
        %add3A_290 = arith.addi %add3A_289, %min3A_169 : vector<16xi32>
        %mul3A_291 = arith.constant 65 : i32
        %mul3A_292 = arith.muli %scan3A_285, %mul3A_291 : i32
        %add3A_293 = vector.broadcast %mul3A_292 : i32 to vector<16xi32>
        %add3A_294 = arith.addi %add3A_293, %min3A_181 : vector<16xi32>
        %mul3A_295 = arith.constant 65 : i32
        %mul3A_296 = arith.muli %scan3A_285, %mul3A_295 : i32
        %add3A_297 = vector.broadcast %mul3A_296 : i32 to vector<16xi32>
        %add3A_298 = arith.addi %add3A_297, %min3A_193 : vector<16xi32>
        %mul3A_299 = arith.constant 65 : i32
        %mul3A_300 = arith.muli %scan3A_285, %mul3A_299 : i32
        %add3A_301 = vector.broadcast %mul3A_300 : i32 to vector<16xi32>
        %add3A_302 = arith.addi %add3A_301, %min3A_205 : vector<16xi32>
        %mul3A_303 = arith.constant 65 : i32
        %mul3A_304 = arith.muli %scan3A_285, %mul3A_303 : i32
        %add3A_305 = vector.broadcast %mul3A_304 : i32 to vector<16xi32>
        %add3A_306 = arith.addi %add3A_305, %min3A_217 : vector<16xi32>
        %gather3A = tpu.vector_load_idx %arg16[%add3A_290] : memref<520xf32, #tpu.memory_space<vmem>>[vector<16xi32>], vector<16xf32>,
        %gather3A_307 = tpu.vector_load_idx %arg16[%add3A_294] : memref<520xf32, #tpu.memory_space<vmem>>[vector<16xi32>], vector<16xf32>,
        %gather3A_308 = tpu.vector_load_idx %arg16[%add3A_298] : memref<520xf32, #tpu.memory_space<vmem>>[vector<16xi32>], vector<16xf32>,
        %gather3A_309 = tpu.vector_load_idx %arg16[%add3A_302] : memref<520xf32, #tpu.memory_space<vmem>>[vector<16xi32>], vector<16xf32>,
        %gather3A_310 = tpu.vector_load_idx %arg16[%add3A_306] : memref<520xf32, #tpu.memory_space<vmem>>[vector<16xi32>], vector<16xf32>,
        %mul3A_311 = arith.constant 8 : i32
        %mul3A_312 = arith.muli %add3A_233, %mul3A_311 : i32
        %add3A_313 = arith.addi %mul3A_312, %scan3A_285 : i32
        %broadcast_in_dim3A = vector.broadcast %add3A_313 : i32 to vector<16xi32>
        %parallel_loop3A = arith.constant 0 : i32
        %parallel_loop3A_314 = arith.constant 64 : i32
        %parallel_loop3A_315 = arith.constant 1 : i32
        %parallel_loop3A_316:5 = scf.for %parallel_loop3A_373 = %parallel_loop3A to %parallel_loop3A_314 step %parallel_loop3A_315 iter_args(%parallel_loop3A_374 = %gather3A, %parallel_loop3A_375 = %gather3A_307, %parallel_loop3A_376 = %gather3A_308, %parallel_loop3A_377 = %gather3A_309, %parallel_loop3A_378 = %gather3A_310) -> (vector<16xf32>, vector<16xf32>, vector<16xf32>, vector<16xf32>, vector<16xf32>)  : i32 {
          %parallel_loop3A_379 = vector.broadcast %parallel_loop3A_373 : i32 to vector<16xi32>
          %parallel_loop3A_380 = arith.addi %iota3A, %parallel_loop3A_379 : vector<16xi32>
          %parallel_loop3A_381 = arith.constant 63 : i32
          %parallel_loop3A_382 = vector.broadcast %parallel_loop3A_381 : i32 to vector<16xi32>
          %parallel_loop3A_383 = arith.andi %parallel_loop3A_380, %parallel_loop3A_382 : vector<16xi32>
          %parallel_loop3A_384 = tpu.vector_load_idx %arg13[%broadcast_in_dim3A, %parallel_loop3A_383] : memref<128x64xf32, #tpu.memory_space<vmem>>[vector<16xi32>, vector<16xi32>], vector<16xf32>,
          %parallel_loop3A_385 = tpu.vector_load_idx %arg14[%add3A_290, %parallel_loop3A_383] : memref<520x64xf32, #tpu.memory_space<vmem>>[vector<16xi32>, vector<16xi32>], vector<16xf32>,
          %parallel_loop3A_386 = arith.mulf %parallel_loop3A_385, %parallel_loop3A_384 : vector<16xf32>
          %parallel_loop3A_387 = arith.addf %parallel_loop3A_374, %parallel_loop3A_386 : vector<16xf32>
          %parallel_loop3A_388 = tpu.vector_load_idx %arg14[%add3A_294, %parallel_loop3A_383] : memref<520x64xf32, #tpu.memory_space<vmem>>[vector<16xi32>, vector<16xi32>], vector<16xf32>,
          %parallel_loop3A_389 = arith.mulf %parallel_loop3A_388, %parallel_loop3A_384 : vector<16xf32>
          %parallel_loop3A_390 = arith.addf %parallel_loop3A_375, %parallel_loop3A_389 : vector<16xf32>
          %parallel_loop3A_391 = tpu.vector_load_idx %arg14[%add3A_298, %parallel_loop3A_383] : memref<520x64xf32, #tpu.memory_space<vmem>>[vector<16xi32>, vector<16xi32>], vector<16xf32>,
          %parallel_loop3A_392 = arith.mulf %parallel_loop3A_391, %parallel_loop3A_384 : vector<16xf32>
          %parallel_loop3A_393 = arith.addf %parallel_loop3A_376, %parallel_loop3A_392 : vector<16xf32>
          %parallel_loop3A_394 = tpu.vector_load_idx %arg14[%add3A_302, %parallel_loop3A_383] : memref<520x64xf32, #tpu.memory_space<vmem>>[vector<16xi32>, vector<16xi32>], vector<16xf32>,
          %parallel_loop3A_395 = arith.mulf %parallel_loop3A_394, %parallel_loop3A_384 : vector<16xf32>
          %parallel_loop3A_396 = arith.addf %parallel_loop3A_377, %parallel_loop3A_395 : vector<16xf32>
          %parallel_loop3A_397 = tpu.vector_load_idx %arg14[%add3A_306, %parallel_loop3A_383] : memref<520x64xf32, #tpu.memory_space<vmem>>[vector<16xi32>, vector<16xi32>], vector<16xf32>,
          %parallel_loop3A_398 = arith.mulf %parallel_loop3A_397, %parallel_loop3A_384 : vector<16xf32>
          %parallel_loop3A_399 = arith.addf %parallel_loop3A_378, %parallel_loop3A_398 : vector<16xf32>
          scf.yield %parallel_loop3A_387, %parallel_loop3A_390, %parallel_loop3A_393, %parallel_loop3A_396, %parallel_loop3A_399 : vector<16xf32>, vector<16xf32>, vector<16xf32>, vector<16xf32>, vector<16xf32>
        } {sc.loop_unroll_factor = 8 : i64, sc.parallel_access}
        %jit3A = arith.constant -1.000000e+30 : f32
        %broadcast_in_dim3A_317 = vector.broadcast %jit3A : f32 to vector<16xf32>
        %select_n3A = arith.select %lt3A_167, %parallel_loop3A_316#0, %broadcast_in_dim3A_317 : vector<16xi1>, vector<16xf32>
        %jit3A_318 = arith.constant -1.000000e+30 : f32
        %broadcast_in_dim3A_319 = vector.broadcast %jit3A_318 : f32 to vector<16xf32>
        %select_n3A_320 = arith.select %lt3A_178, %parallel_loop3A_316#1, %broadcast_in_dim3A_319 : vector<16xi1>, vector<16xf32>
        %jit3A_321 = arith.constant -1.000000e+30 : f32
        %broadcast_in_dim3A_322 = vector.broadcast %jit3A_321 : f32 to vector<16xf32>
        %select_n3A_323 = arith.select %lt3A_190, %parallel_loop3A_316#2, %broadcast_in_dim3A_322 : vector<16xi1>, vector<16xf32>
        %jit3A_324 = arith.constant -1.000000e+30 : f32
        %broadcast_in_dim3A_325 = vector.broadcast %jit3A_324 : f32 to vector<16xf32>
        %select_n3A_326 = arith.select %lt3A_202, %parallel_loop3A_316#3, %broadcast_in_dim3A_325 : vector<16xi1>, vector<16xf32>
        %jit3A_327 = arith.constant -1.000000e+30 : f32
        %broadcast_in_dim3A_328 = vector.broadcast %jit3A_327 : f32 to vector<16xf32>
        %select_n3A_329 = arith.select %lt3A_214, %parallel_loop3A_316#4, %broadcast_in_dim3A_328 : vector<16xi1>, vector<16xf32>
        %max3A = arith.maximumf %select_n3A, %select_n3A_320 : vector<16xf32>
        %max3A_330 = arith.maximumf %max3A, %select_n3A_323 : vector<16xf32>
        %max3A_331 = arith.maximumf %max3A_330, %select_n3A_326 : vector<16xf32>
        %max3A_332 = arith.maximumf %max3A_331, %select_n3A_329 : vector<16xf32>
        %reduce_max3A = arith.constant true
        %reduce_max3A_333 = vector.broadcast %reduce_max3A : i1 to vector<16xi1>
        %reduce_max3A_334 = tpu.scan <max>, %max3A_332 masked %reduce_max3A_333 : vector<16xf32>, vector<16xi1> -> vector<16xf32>
        %reduce_max3A_335 = vector.extract %reduce_max3A_334[15] : f32 from vector<16xf32>
        %broadcast_in_dim3A_336 = vector.broadcast %reduce_max3A_335 : f32 to vector<16xf32>
        %sub3A = arith.subf %select_n3A, %broadcast_in_dim3A_336 : vector<16xf32>
        %exp3A = math.exp %sub3A : vector<16xf32>
        %jit3A_337 = arith.constant 0.000000e+00 : f32
        %broadcast_in_dim3A_338 = vector.broadcast %jit3A_337 : f32 to vector<16xf32>
        %select_n3A_339 = arith.select %lt3A_167, %exp3A, %broadcast_in_dim3A_338 : vector<16xi1>, vector<16xf32>
        %sub3A_340 = arith.subf %select_n3A_320, %broadcast_in_dim3A_336 : vector<16xf32>
        %exp3A_341 = math.exp %sub3A_340 : vector<16xf32>
        %jit3A_342 = arith.constant 0.000000e+00 : f32
        %broadcast_in_dim3A_343 = vector.broadcast %jit3A_342 : f32 to vector<16xf32>
        %select_n3A_344 = arith.select %lt3A_178, %exp3A_341, %broadcast_in_dim3A_343 : vector<16xi1>, vector<16xf32>
        %sub3A_345 = arith.subf %select_n3A_323, %broadcast_in_dim3A_336 : vector<16xf32>
        %exp3A_346 = math.exp %sub3A_345 : vector<16xf32>
        %jit3A_347 = arith.constant 0.000000e+00 : f32
        %broadcast_in_dim3A_348 = vector.broadcast %jit3A_347 : f32 to vector<16xf32>
        %select_n3A_349 = arith.select %lt3A_190, %exp3A_346, %broadcast_in_dim3A_348 : vector<16xi1>, vector<16xf32>
        %sub3A_350 = arith.subf %select_n3A_326, %broadcast_in_dim3A_336 : vector<16xf32>
        %exp3A_351 = math.exp %sub3A_350 : vector<16xf32>
        %jit3A_352 = arith.constant 0.000000e+00 : f32
        %broadcast_in_dim3A_353 = vector.broadcast %jit3A_352 : f32 to vector<16xf32>
        %select_n3A_354 = arith.select %lt3A_202, %exp3A_351, %broadcast_in_dim3A_353 : vector<16xi1>, vector<16xf32>
        %sub3A_355 = arith.subf %select_n3A_329, %broadcast_in_dim3A_336 : vector<16xf32>
        %exp3A_356 = math.exp %sub3A_355 : vector<16xf32>
        %jit3A_357 = arith.constant 0.000000e+00 : f32
        %broadcast_in_dim3A_358 = vector.broadcast %jit3A_357 : f32 to vector<16xf32>
        %select_n3A_359 = arith.select %lt3A_214, %exp3A_356, %broadcast_in_dim3A_358 : vector<16xi1>, vector<16xf32>
        %add3A_360 = arith.addf %select_n3A_339, %select_n3A_344 : vector<16xf32>
        %add3A_361 = arith.addf %add3A_360, %select_n3A_349 : vector<16xf32>
        %add3A_362 = arith.addf %add3A_361, %select_n3A_354 : vector<16xf32>
        %add3A_363 = arith.addf %add3A_362, %select_n3A_359 : vector<16xf32>
        %reduce_sum3A = arith.constant true
        %reduce_sum3A_364 = vector.broadcast %reduce_sum3A : i1 to vector<16xi1>
        %reduce_sum3A_365 = tpu.scan <sum>, %add3A_363 masked %reduce_sum3A_364 : vector<16xf32>, vector<16xi1> -> vector<16xf32>
        %reduce_sum3A_366 = vector.extract %reduce_sum3A_365[15] : f32 from vector<16xf32>
        %broadcast_in_dim3A_367 = vector.broadcast %reduce_sum3A_366 : f32 to vector<16xf32>
        %div3A = arith.divf %select_n3A_339, %broadcast_in_dim3A_367 : vector<16xf32>
        tpu.vector_store_idx %arg18[%broadcast_in_dim3A, %min3A_172], %div3A masked %lt3A_167 : memref<128x65xf32, #tpu.memory_space<vmem>>[vector<16xi32>, vector<16xi32>], vector<16xf32>, vector<16xi1>
        %div3A_368 = arith.divf %select_n3A_344, %broadcast_in_dim3A_367 : vector<16xf32>
        tpu.vector_store_idx %arg18[%broadcast_in_dim3A, %min3A_184], %div3A_368 masked %lt3A_178 : memref<128x65xf32, #tpu.memory_space<vmem>>[vector<16xi32>, vector<16xi32>], vector<16xf32>, vector<16xi1>
        %div3A_369 = arith.divf %select_n3A_349, %broadcast_in_dim3A_367 : vector<16xf32>
        tpu.vector_store_idx %arg18[%broadcast_in_dim3A, %min3A_196], %div3A_369 masked %lt3A_190 : memref<128x65xf32, #tpu.memory_space<vmem>>[vector<16xi32>, vector<16xi32>], vector<16xf32>, vector<16xi1>
        %div3A_370 = arith.divf %select_n3A_354, %broadcast_in_dim3A_367 : vector<16xf32>
        tpu.vector_store_idx %arg18[%broadcast_in_dim3A, %min3A_208], %div3A_370 masked %lt3A_202 : memref<128x65xf32, #tpu.memory_space<vmem>>[vector<16xi32>, vector<16xi32>], vector<16xf32>, vector<16xi1>
        %div3A_371 = arith.divf %select_n3A_359, %broadcast_in_dim3A_367 : vector<16xf32>
        tpu.vector_store_idx %arg18[%broadcast_in_dim3A, %min3A_220], %div3A_371 masked %lt3A_214 : memref<128x65xf32, #tpu.memory_space<vmem>>[vector<16xi32>, vector<16xi32>], vector<16xf32>, vector<16xi1>
        %scan3A_372 = arith.constant 0 : i32
        scf.yield %scan3A_372 : i32
      }
      %scan3A_250 = arith.constant 8 : i32
      %add3A_251 = arith.constant 2 : i32
      %add3A_252 = arith.addi %add3A_233, %add3A_251 : i32
      %lt3A_253 = arith.constant 16 : i32
      %lt3A_254 = arith.cmpi slt, %add3A_252, %lt3A_253 : i32
      %convert_element_type3A = arith.extui %lt3A_254 : i1 to i32
      %cond3A = arith.constant 0 : i32
      %cond3A_255 = arith.cmpi ne, %convert_element_type3A, %cond3A : i32
      scf.if %cond3A_255 {
        %add3A_285 = arith.constant 2 : i32
        %add3A_286 = arith.addi %add3A_233, %add3A_285 : i32
        %mul3A_287 = arith.constant 520 : i32
        %mul3A_288 = arith.muli %add3A_286, %mul3A_287 : i32
        %add3A_289 = arith.constant 0 : i32
        %add3A_290 = arith.addi %mul3A_288, %add3A_289 : i32
        %multiple_of3A_291 = tpu.assume_multiple %add3A_290, 8 : i32
        %dma_start3A_292 = arith.constant 0 : i32
        %dma_start3A_293 = arith.constant 0 : i32
        %dma_start3A_294 = tpu.memref_slice %arg14[%dma_start3A_292, %dma_start3A_293] : memref<520x64xf32, #tpu.memory_space<vmem>> -> memref<104x64xf32, #tpu.memory_space<vmem>>
        %dma_start3A_295 = tpu.memref_slice %arg12[%multiple_of3A_291] : memref<8320xi32, #tpu.memory_space<vmem>> -> memref<104xi32, #tpu.memory_space<vmem>>
        %dma_start3A_296 = arith.constant 0 : i32
        %dma_start3A_297 = arith.constant 0 : i32
        %dma_start3A_298 = tpu.memref_slice %arg6[%dma_start3A_296, %dma_start3A_297] : memref<100000x64xf32, #tpu.memory_space<hbm>> -> memref<100000x64xf32, #tpu.memory_space<hbm>>
        tpu.enqueue_indirect_dma source(%dma_start3A_298 : memref<100000x64xf32, #tpu.memory_space<hbm>>) target(%dma_start3A_294 : memref<104x64xf32, #tpu.memory_space<vmem>>) offsets(%dma_start3A_295 : memref<104xi32, #tpu.memory_space<vmem>>) semaphore(%arg20 : memref<!tpu.dma_semaphore, #tpu.memory_space<semaphore_mem>>)
        %dma_start3A_299 = arith.constant 0 : i32
        %dma_start3A_300 = tpu.memref_slice %arg16[%dma_start3A_299] : memref<520xf32, #tpu.memory_space<vmem>> -> memref<104xf32, #tpu.memory_space<vmem>>
        %dma_start3A_301 = tpu.memref_slice %arg12[%multiple_of3A_291] : memref<8320xi32, #tpu.memory_space<vmem>> -> memref<104xi32, #tpu.memory_space<vmem>>
        %dma_start3A_302 = arith.constant 0 : i32
        %dma_start3A_303 = tpu.memref_slice %arg7[%dma_start3A_302] : memref<100000xf32, #tpu.memory_space<hbm>> -> memref<100000xf32, #tpu.memory_space<hbm>>
        tpu.enqueue_indirect_dma source(%dma_start3A_303 : memref<100000xf32, #tpu.memory_space<hbm>>) target(%dma_start3A_300 : memref<104xf32, #tpu.memory_space<vmem>>) offsets(%dma_start3A_301 : memref<104xi32, #tpu.memory_space<vmem>>) semaphore(%arg22 : memref<!tpu.dma_semaphore, #tpu.memory_space<semaphore_mem>>)
        %mul3A_304 = arith.constant 520 : i32
        %mul3A_305 = arith.muli %add3A_286, %mul3A_304 : i32
        %add3A_306 = arith.constant 104 : i32
        %add3A_307 = arith.addi %mul3A_305, %add3A_306 : i32
        %multiple_of3A_308 = tpu.assume_multiple %add3A_307, 8 : i32
        %dma_start3A_309 = arith.constant 104 : i32
        %dma_start3A_310 = arith.constant 0 : i32
        %dma_start3A_311 = tpu.memref_slice %arg14[%dma_start3A_309, %dma_start3A_310] : memref<520x64xf32, #tpu.memory_space<vmem>> -> memref<104x64xf32, #tpu.memory_space<vmem>>
        %dma_start3A_312 = tpu.memref_slice %arg12[%multiple_of3A_308] : memref<8320xi32, #tpu.memory_space<vmem>> -> memref<104xi32, #tpu.memory_space<vmem>>
        %dma_start3A_313 = arith.constant 0 : i32
        %dma_start3A_314 = arith.constant 0 : i32
        %dma_start3A_315 = tpu.memref_slice %arg6[%dma_start3A_313, %dma_start3A_314] : memref<100000x64xf32, #tpu.memory_space<hbm>> -> memref<100000x64xf32, #tpu.memory_space<hbm>>
        tpu.enqueue_indirect_dma source(%dma_start3A_315 : memref<100000x64xf32, #tpu.memory_space<hbm>>) target(%dma_start3A_311 : memref<104x64xf32, #tpu.memory_space<vmem>>) offsets(%dma_start3A_312 : memref<104xi32, #tpu.memory_space<vmem>>) semaphore(%arg20 : memref<!tpu.dma_semaphore, #tpu.memory_space<semaphore_mem>>)
        %dma_start3A_316 = arith.constant 104 : i32
        %dma_start3A_317 = tpu.memref_slice %arg16[%dma_start3A_316] : memref<520xf32, #tpu.memory_space<vmem>> -> memref<104xf32, #tpu.memory_space<vmem>>
        %dma_start3A_318 = tpu.memref_slice %arg12[%multiple_of3A_308] : memref<8320xi32, #tpu.memory_space<vmem>> -> memref<104xi32, #tpu.memory_space<vmem>>
        %dma_start3A_319 = arith.constant 0 : i32
        %dma_start3A_320 = tpu.memref_slice %arg7[%dma_start3A_319] : memref<100000xf32, #tpu.memory_space<hbm>> -> memref<100000xf32, #tpu.memory_space<hbm>>
        tpu.enqueue_indirect_dma source(%dma_start3A_320 : memref<100000xf32, #tpu.memory_space<hbm>>) target(%dma_start3A_317 : memref<104xf32, #tpu.memory_space<vmem>>) offsets(%dma_start3A_318 : memref<104xi32, #tpu.memory_space<vmem>>) semaphore(%arg22 : memref<!tpu.dma_semaphore, #tpu.memory_space<semaphore_mem>>)
        %mul3A_321 = arith.constant 520 : i32
        %mul3A_322 = arith.muli %add3A_286, %mul3A_321 : i32
        %add3A_323 = arith.constant 208 : i32
        %add3A_324 = arith.addi %mul3A_322, %add3A_323 : i32
        %multiple_of3A_325 = tpu.assume_multiple %add3A_324, 8 : i32
        %dma_start3A_326 = arith.constant 208 : i32
        %dma_start3A_327 = arith.constant 0 : i32
        %dma_start3A_328 = tpu.memref_slice %arg14[%dma_start3A_326, %dma_start3A_327] : memref<520x64xf32, #tpu.memory_space<vmem>> -> memref<104x64xf32, #tpu.memory_space<vmem>>
        %dma_start3A_329 = tpu.memref_slice %arg12[%multiple_of3A_325] : memref<8320xi32, #tpu.memory_space<vmem>> -> memref<104xi32, #tpu.memory_space<vmem>>
        %dma_start3A_330 = arith.constant 0 : i32
        %dma_start3A_331 = arith.constant 0 : i32
        %dma_start3A_332 = tpu.memref_slice %arg6[%dma_start3A_330, %dma_start3A_331] : memref<100000x64xf32, #tpu.memory_space<hbm>> -> memref<100000x64xf32, #tpu.memory_space<hbm>>
        tpu.enqueue_indirect_dma source(%dma_start3A_332 : memref<100000x64xf32, #tpu.memory_space<hbm>>) target(%dma_start3A_328 : memref<104x64xf32, #tpu.memory_space<vmem>>) offsets(%dma_start3A_329 : memref<104xi32, #tpu.memory_space<vmem>>) semaphore(%arg20 : memref<!tpu.dma_semaphore, #tpu.memory_space<semaphore_mem>>)
        %dma_start3A_333 = arith.constant 208 : i32
        %dma_start3A_334 = tpu.memref_slice %arg16[%dma_start3A_333] : memref<520xf32, #tpu.memory_space<vmem>> -> memref<104xf32, #tpu.memory_space<vmem>>
        %dma_start3A_335 = tpu.memref_slice %arg12[%multiple_of3A_325] : memref<8320xi32, #tpu.memory_space<vmem>> -> memref<104xi32, #tpu.memory_space<vmem>>
        %dma_start3A_336 = arith.constant 0 : i32
        %dma_start3A_337 = tpu.memref_slice %arg7[%dma_start3A_336] : memref<100000xf32, #tpu.memory_space<hbm>> -> memref<100000xf32, #tpu.memory_space<hbm>>
        tpu.enqueue_indirect_dma source(%dma_start3A_337 : memref<100000xf32, #tpu.memory_space<hbm>>) target(%dma_start3A_334 : memref<104xf32, #tpu.memory_space<vmem>>) offsets(%dma_start3A_335 : memref<104xi32, #tpu.memory_space<vmem>>) semaphore(%arg22 : memref<!tpu.dma_semaphore, #tpu.memory_space<semaphore_mem>>)
        %mul3A_338 = arith.constant 520 : i32
        %mul3A_339 = arith.muli %add3A_286, %mul3A_338 : i32
        %add3A_340 = arith.constant 312 : i32
        %add3A_341 = arith.addi %mul3A_339, %add3A_340 : i32
        %multiple_of3A_342 = tpu.assume_multiple %add3A_341, 8 : i32
        %dma_start3A_343 = arith.constant 312 : i32
        %dma_start3A_344 = arith.constant 0 : i32
        %dma_start3A_345 = tpu.memref_slice %arg14[%dma_start3A_343, %dma_start3A_344] : memref<520x64xf32, #tpu.memory_space<vmem>> -> memref<104x64xf32, #tpu.memory_space<vmem>>
        %dma_start3A_346 = tpu.memref_slice %arg12[%multiple_of3A_342] : memref<8320xi32, #tpu.memory_space<vmem>> -> memref<104xi32, #tpu.memory_space<vmem>>
        %dma_start3A_347 = arith.constant 0 : i32
        %dma_start3A_348 = arith.constant 0 : i32
        %dma_start3A_349 = tpu.memref_slice %arg6[%dma_start3A_347, %dma_start3A_348] : memref<100000x64xf32, #tpu.memory_space<hbm>> -> memref<100000x64xf32, #tpu.memory_space<hbm>>
        tpu.enqueue_indirect_dma source(%dma_start3A_349 : memref<100000x64xf32, #tpu.memory_space<hbm>>) target(%dma_start3A_345 : memref<104x64xf32, #tpu.memory_space<vmem>>) offsets(%dma_start3A_346 : memref<104xi32, #tpu.memory_space<vmem>>) semaphore(%arg20 : memref<!tpu.dma_semaphore, #tpu.memory_space<semaphore_mem>>)
        %dma_start3A_350 = arith.constant 312 : i32
        %dma_start3A_351 = tpu.memref_slice %arg16[%dma_start3A_350] : memref<520xf32, #tpu.memory_space<vmem>> -> memref<104xf32, #tpu.memory_space<vmem>>
        %dma_start3A_352 = tpu.memref_slice %arg12[%multiple_of3A_342] : memref<8320xi32, #tpu.memory_space<vmem>> -> memref<104xi32, #tpu.memory_space<vmem>>
        %dma_start3A_353 = arith.constant 0 : i32
        %dma_start3A_354 = tpu.memref_slice %arg7[%dma_start3A_353] : memref<100000xf32, #tpu.memory_space<hbm>> -> memref<100000xf32, #tpu.memory_space<hbm>>
        tpu.enqueue_indirect_dma source(%dma_start3A_354 : memref<100000xf32, #tpu.memory_space<hbm>>) target(%dma_start3A_351 : memref<104xf32, #tpu.memory_space<vmem>>) offsets(%dma_start3A_352 : memref<104xi32, #tpu.memory_space<vmem>>) semaphore(%arg22 : memref<!tpu.dma_semaphore, #tpu.memory_space<semaphore_mem>>)
        %mul3A_355 = arith.constant 520 : i32
        %mul3A_356 = arith.muli %add3A_286, %mul3A_355 : i32
        %add3A_357 = arith.constant 416 : i32
        %add3A_358 = arith.addi %mul3A_356, %add3A_357 : i32
        %multiple_of3A_359 = tpu.assume_multiple %add3A_358, 8 : i32
        %dma_start3A_360 = arith.constant 416 : i32
        %dma_start3A_361 = arith.constant 0 : i32
        %dma_start3A_362 = tpu.memref_slice %arg14[%dma_start3A_360, %dma_start3A_361] : memref<520x64xf32, #tpu.memory_space<vmem>> -> memref<104x64xf32, #tpu.memory_space<vmem>>
        %dma_start3A_363 = tpu.memref_slice %arg12[%multiple_of3A_359] : memref<8320xi32, #tpu.memory_space<vmem>> -> memref<104xi32, #tpu.memory_space<vmem>>
        %dma_start3A_364 = arith.constant 0 : i32
        %dma_start3A_365 = arith.constant 0 : i32
        %dma_start3A_366 = tpu.memref_slice %arg6[%dma_start3A_364, %dma_start3A_365] : memref<100000x64xf32, #tpu.memory_space<hbm>> -> memref<100000x64xf32, #tpu.memory_space<hbm>>
        tpu.enqueue_indirect_dma source(%dma_start3A_366 : memref<100000x64xf32, #tpu.memory_space<hbm>>) target(%dma_start3A_362 : memref<104x64xf32, #tpu.memory_space<vmem>>) offsets(%dma_start3A_363 : memref<104xi32, #tpu.memory_space<vmem>>) semaphore(%arg20 : memref<!tpu.dma_semaphore, #tpu.memory_space<semaphore_mem>>)
        %dma_start3A_367 = arith.constant 416 : i32
        %dma_start3A_368 = tpu.memref_slice %arg16[%dma_start3A_367] : memref<520xf32, #tpu.memory_space<vmem>> -> memref<104xf32, #tpu.memory_space<vmem>>
        %dma_start3A_369 = tpu.memref_slice %arg12[%multiple_of3A_359] : memref<8320xi32, #tpu.memory_space<vmem>> -> memref<104xi32, #tpu.memory_space<vmem>>
        %dma_start3A_370 = arith.constant 0 : i32
        %dma_start3A_371 = tpu.memref_slice %arg7[%dma_start3A_370] : memref<100000xf32, #tpu.memory_space<hbm>> -> memref<100000xf32, #tpu.memory_space<hbm>>
        tpu.enqueue_indirect_dma source(%dma_start3A_371 : memref<100000xf32, #tpu.memory_space<hbm>>) target(%dma_start3A_368 : memref<104xf32, #tpu.memory_space<vmem>>) offsets(%dma_start3A_369 : memref<104xi32, #tpu.memory_space<vmem>>) semaphore(%arg22 : memref<!tpu.dma_semaphore, #tpu.memory_space<semaphore_mem>>)
      } else {
      }
      %mul3A_256 = arith.constant 2 : i32
      %mul3A_257 = arith.muli %scan3A_228, %mul3A_256 : i32
      %add3A_258 = arith.constant 1 : i32
      %add3A_259 = arith.addi %mul3A_257, %add3A_258 : i32
      %dma_wait3A_260 = arith.constant 0 : i32
      %dma_wait3A_261 = arith.constant 0 : i32
      %dma_wait3A_262 = tpu.memref_slice %arg6[%dma_wait3A_260, %dma_wait3A_261] : memref<100000x64xf32, #tpu.memory_space<hbm>> -> memref<520x64xf32, #tpu.memory_space<hbm>>
      %dma_wait3A_263 = arith.constant 0 : i32
      %dma_wait3A_264 = arith.constant 0 : i32
      %dma_wait3A_265 = tpu.memref_slice %arg6[%dma_wait3A_263, %dma_wait3A_264] : memref<100000x64xf32, #tpu.memory_space<hbm>> -> memref<520x64xf32, #tpu.memory_space<hbm>>
      tpu.wait_dma2 semaphore(%arg21 : memref<!tpu.dma_semaphore, #tpu.memory_space<semaphore_mem>>) src(%dma_wait3A_265 : memref<520x64xf32, #tpu.memory_space<hbm>>) dst(%arg15 : memref<520x64xf32, #tpu.memory_space<vmem>>)
      %dma_wait3A_266 = arith.constant 0 : i32
      %dma_wait3A_267 = tpu.memref_slice %arg7[%dma_wait3A_266] : memref<100000xf32, #tpu.memory_space<hbm>> -> memref<520xf32, #tpu.memory_space<hbm>>
      %dma_wait3A_268 = arith.constant 0 : i32
      %dma_wait3A_269 = tpu.memref_slice %arg7[%dma_wait3A_268] : memref<100000xf32, #tpu.memory_space<hbm>> -> memref<520xf32, #tpu.memory_space<hbm>>
      tpu.wait_dma2 semaphore(%arg23 : memref<!tpu.dma_semaphore, #tpu.memory_space<semaphore_mem>>) src(%dma_wait3A_269 : memref<520xf32, #tpu.memory_space<hbm>>) dst(%arg17 : memref<520xf32, #tpu.memory_space<vmem>>)
      %scan3A_270 = arith.constant 0 : i32
      %scan3A_271 = arith.constant 0 : i32
      %scan3A_272 = arith.constant 8 : i32
      %scan3A_273 = arith.addi %scan3A_271, %scan3A_272 : i32
      %scan3A_274 = arith.constant 1 : i32
      %scan3A_275 = scf.for %scan3A_285 = %scan3A_271 to %scan3A_273 step %scan3A_274 iter_args(%scan3A_286 = %scan3A_270) -> (i32)  : i32 {
        %mul3A_287 = arith.constant 65 : i32
        %mul3A_288 = arith.muli %scan3A_285, %mul3A_287 : i32
        %add3A_289 = vector.broadcast %mul3A_288 : i32 to vector<16xi32>
        %add3A_290 = arith.addi %add3A_289, %min3A_169 : vector<16xi32>
        %mul3A_291 = arith.constant 65 : i32
        %mul3A_292 = arith.muli %scan3A_285, %mul3A_291 : i32
        %add3A_293 = vector.broadcast %mul3A_292 : i32 to vector<16xi32>
        %add3A_294 = arith.addi %add3A_293, %min3A_181 : vector<16xi32>
        %mul3A_295 = arith.constant 65 : i32
        %mul3A_296 = arith.muli %scan3A_285, %mul3A_295 : i32
        %add3A_297 = vector.broadcast %mul3A_296 : i32 to vector<16xi32>
        %add3A_298 = arith.addi %add3A_297, %min3A_193 : vector<16xi32>
        %mul3A_299 = arith.constant 65 : i32
        %mul3A_300 = arith.muli %scan3A_285, %mul3A_299 : i32
        %add3A_301 = vector.broadcast %mul3A_300 : i32 to vector<16xi32>
        %add3A_302 = arith.addi %add3A_301, %min3A_205 : vector<16xi32>
        %mul3A_303 = arith.constant 65 : i32
        %mul3A_304 = arith.muli %scan3A_285, %mul3A_303 : i32
        %add3A_305 = vector.broadcast %mul3A_304 : i32 to vector<16xi32>
        %add3A_306 = arith.addi %add3A_305, %min3A_217 : vector<16xi32>
        %gather3A = tpu.vector_load_idx %arg17[%add3A_290] : memref<520xf32, #tpu.memory_space<vmem>>[vector<16xi32>], vector<16xf32>,
        %gather3A_307 = tpu.vector_load_idx %arg17[%add3A_294] : memref<520xf32, #tpu.memory_space<vmem>>[vector<16xi32>], vector<16xf32>,
        %gather3A_308 = tpu.vector_load_idx %arg17[%add3A_298] : memref<520xf32, #tpu.memory_space<vmem>>[vector<16xi32>], vector<16xf32>,
        %gather3A_309 = tpu.vector_load_idx %arg17[%add3A_302] : memref<520xf32, #tpu.memory_space<vmem>>[vector<16xi32>], vector<16xf32>,
        %gather3A_310 = tpu.vector_load_idx %arg17[%add3A_306] : memref<520xf32, #tpu.memory_space<vmem>>[vector<16xi32>], vector<16xf32>,
        %mul3A_311 = arith.constant 8 : i32
        %mul3A_312 = arith.muli %add3A_259, %mul3A_311 : i32
        %add3A_313 = arith.addi %mul3A_312, %scan3A_285 : i32
        %broadcast_in_dim3A = vector.broadcast %add3A_313 : i32 to vector<16xi32>
        %parallel_loop3A = arith.constant 0 : i32
        %parallel_loop3A_314 = arith.constant 64 : i32
        %parallel_loop3A_315 = arith.constant 1 : i32
        %parallel_loop3A_316:5 = scf.for %parallel_loop3A_373 = %parallel_loop3A to %parallel_loop3A_314 step %parallel_loop3A_315 iter_args(%parallel_loop3A_374 = %gather3A, %parallel_loop3A_375 = %gather3A_307, %parallel_loop3A_376 = %gather3A_308, %parallel_loop3A_377 = %gather3A_309, %parallel_loop3A_378 = %gather3A_310) -> (vector<16xf32>, vector<16xf32>, vector<16xf32>, vector<16xf32>, vector<16xf32>)  : i32 {
          %parallel_loop3A_379 = vector.broadcast %parallel_loop3A_373 : i32 to vector<16xi32>
          %parallel_loop3A_380 = arith.addi %iota3A, %parallel_loop3A_379 : vector<16xi32>
          %parallel_loop3A_381 = arith.constant 63 : i32
          %parallel_loop3A_382 = vector.broadcast %parallel_loop3A_381 : i32 to vector<16xi32>
          %parallel_loop3A_383 = arith.andi %parallel_loop3A_380, %parallel_loop3A_382 : vector<16xi32>
          %parallel_loop3A_384 = tpu.vector_load_idx %arg13[%broadcast_in_dim3A, %parallel_loop3A_383] : memref<128x64xf32, #tpu.memory_space<vmem>>[vector<16xi32>, vector<16xi32>], vector<16xf32>,
          %parallel_loop3A_385 = tpu.vector_load_idx %arg15[%add3A_290, %parallel_loop3A_383] : memref<520x64xf32, #tpu.memory_space<vmem>>[vector<16xi32>, vector<16xi32>], vector<16xf32>,
          %parallel_loop3A_386 = arith.mulf %parallel_loop3A_385, %parallel_loop3A_384 : vector<16xf32>
          %parallel_loop3A_387 = arith.addf %parallel_loop3A_374, %parallel_loop3A_386 : vector<16xf32>
          %parallel_loop3A_388 = tpu.vector_load_idx %arg15[%add3A_294, %parallel_loop3A_383] : memref<520x64xf32, #tpu.memory_space<vmem>>[vector<16xi32>, vector<16xi32>], vector<16xf32>,
          %parallel_loop3A_389 = arith.mulf %parallel_loop3A_388, %parallel_loop3A_384 : vector<16xf32>
          %parallel_loop3A_390 = arith.addf %parallel_loop3A_375, %parallel_loop3A_389 : vector<16xf32>
          %parallel_loop3A_391 = tpu.vector_load_idx %arg15[%add3A_298, %parallel_loop3A_383] : memref<520x64xf32, #tpu.memory_space<vmem>>[vector<16xi32>, vector<16xi32>], vector<16xf32>,
          %parallel_loop3A_392 = arith.mulf %parallel_loop3A_391, %parallel_loop3A_384 : vector<16xf32>
          %parallel_loop3A_393 = arith.addf %parallel_loop3A_376, %parallel_loop3A_392 : vector<16xf32>
          %parallel_loop3A_394 = tpu.vector_load_idx %arg15[%add3A_302, %parallel_loop3A_383] : memref<520x64xf32, #tpu.memory_space<vmem>>[vector<16xi32>, vector<16xi32>], vector<16xf32>,
          %parallel_loop3A_395 = arith.mulf %parallel_loop3A_394, %parallel_loop3A_384 : vector<16xf32>
          %parallel_loop3A_396 = arith.addf %parallel_loop3A_377, %parallel_loop3A_395 : vector<16xf32>
          %parallel_loop3A_397 = tpu.vector_load_idx %arg15[%add3A_306, %parallel_loop3A_383] : memref<520x64xf32, #tpu.memory_space<vmem>>[vector<16xi32>, vector<16xi32>], vector<16xf32>,
          %parallel_loop3A_398 = arith.mulf %parallel_loop3A_397, %parallel_loop3A_384 : vector<16xf32>
          %parallel_loop3A_399 = arith.addf %parallel_loop3A_378, %parallel_loop3A_398 : vector<16xf32>
          scf.yield %parallel_loop3A_387, %parallel_loop3A_390, %parallel_loop3A_393, %parallel_loop3A_396, %parallel_loop3A_399 : vector<16xf32>, vector<16xf32>, vector<16xf32>, vector<16xf32>, vector<16xf32>
        } {sc.loop_unroll_factor = 8 : i64, sc.parallel_access}
        %jit3A = arith.constant -1.000000e+30 : f32
        %broadcast_in_dim3A_317 = vector.broadcast %jit3A : f32 to vector<16xf32>
        %select_n3A = arith.select %lt3A_167, %parallel_loop3A_316#0, %broadcast_in_dim3A_317 : vector<16xi1>, vector<16xf32>
        %jit3A_318 = arith.constant -1.000000e+30 : f32
        %broadcast_in_dim3A_319 = vector.broadcast %jit3A_318 : f32 to vector<16xf32>
        %select_n3A_320 = arith.select %lt3A_178, %parallel_loop3A_316#1, %broadcast_in_dim3A_319 : vector<16xi1>, vector<16xf32>
        %jit3A_321 = arith.constant -1.000000e+30 : f32
        %broadcast_in_dim3A_322 = vector.broadcast %jit3A_321 : f32 to vector<16xf32>
        %select_n3A_323 = arith.select %lt3A_190, %parallel_loop3A_316#2, %broadcast_in_dim3A_322 : vector<16xi1>, vector<16xf32>
        %jit3A_324 = arith.constant -1.000000e+30 : f32
        %broadcast_in_dim3A_325 = vector.broadcast %jit3A_324 : f32 to vector<16xf32>
        %select_n3A_326 = arith.select %lt3A_202, %parallel_loop3A_316#3, %broadcast_in_dim3A_325 : vector<16xi1>, vector<16xf32>
        %jit3A_327 = arith.constant -1.000000e+30 : f32
        %broadcast_in_dim3A_328 = vector.broadcast %jit3A_327 : f32 to vector<16xf32>
        %select_n3A_329 = arith.select %lt3A_214, %parallel_loop3A_316#4, %broadcast_in_dim3A_328 : vector<16xi1>, vector<16xf32>
        %max3A = arith.maximumf %select_n3A, %select_n3A_320 : vector<16xf32>
        %max3A_330 = arith.maximumf %max3A, %select_n3A_323 : vector<16xf32>
        %max3A_331 = arith.maximumf %max3A_330, %select_n3A_326 : vector<16xf32>
        %max3A_332 = arith.maximumf %max3A_331, %select_n3A_329 : vector<16xf32>
        %reduce_max3A = arith.constant true
        %reduce_max3A_333 = vector.broadcast %reduce_max3A : i1 to vector<16xi1>
        %reduce_max3A_334 = tpu.scan <max>, %max3A_332 masked %reduce_max3A_333 : vector<16xf32>, vector<16xi1> -> vector<16xf32>
        %reduce_max3A_335 = vector.extract %reduce_max3A_334[15] : f32 from vector<16xf32>
        %broadcast_in_dim3A_336 = vector.broadcast %reduce_max3A_335 : f32 to vector<16xf32>
        %sub3A = arith.subf %select_n3A, %broadcast_in_dim3A_336 : vector<16xf32>
        %exp3A = math.exp %sub3A : vector<16xf32>
        %jit3A_337 = arith.constant 0.000000e+00 : f32
        %broadcast_in_dim3A_338 = vector.broadcast %jit3A_337 : f32 to vector<16xf32>
        %select_n3A_339 = arith.select %lt3A_167, %exp3A, %broadcast_in_dim3A_338 : vector<16xi1>, vector<16xf32>
        %sub3A_340 = arith.subf %select_n3A_320, %broadcast_in_dim3A_336 : vector<16xf32>
        %exp3A_341 = math.exp %sub3A_340 : vector<16xf32>
        %jit3A_342 = arith.constant 0.000000e+00 : f32
        %broadcast_in_dim3A_343 = vector.broadcast %jit3A_342 : f32 to vector<16xf32>
        %select_n3A_344 = arith.select %lt3A_178, %exp3A_341, %broadcast_in_dim3A_343 : vector<16xi1>, vector<16xf32>
        %sub3A_345 = arith.subf %select_n3A_323, %broadcast_in_dim3A_336 : vector<16xf32>
        %exp3A_346 = math.exp %sub3A_345 : vector<16xf32>
        %jit3A_347 = arith.constant 0.000000e+00 : f32
        %broadcast_in_dim3A_348 = vector.broadcast %jit3A_347 : f32 to vector<16xf32>
        %select_n3A_349 = arith.select %lt3A_190, %exp3A_346, %broadcast_in_dim3A_348 : vector<16xi1>, vector<16xf32>
        %sub3A_350 = arith.subf %select_n3A_326, %broadcast_in_dim3A_336 : vector<16xf32>
        %exp3A_351 = math.exp %sub3A_350 : vector<16xf32>
        %jit3A_352 = arith.constant 0.000000e+00 : f32
        %broadcast_in_dim3A_353 = vector.broadcast %jit3A_352 : f32 to vector<16xf32>
        %select_n3A_354 = arith.select %lt3A_202, %exp3A_351, %broadcast_in_dim3A_353 : vector<16xi1>, vector<16xf32>
        %sub3A_355 = arith.subf %select_n3A_329, %broadcast_in_dim3A_336 : vector<16xf32>
        %exp3A_356 = math.exp %sub3A_355 : vector<16xf32>
        %jit3A_357 = arith.constant 0.000000e+00 : f32
        %broadcast_in_dim3A_358 = vector.broadcast %jit3A_357 : f32 to vector<16xf32>
        %select_n3A_359 = arith.select %lt3A_214, %exp3A_356, %broadcast_in_dim3A_358 : vector<16xi1>, vector<16xf32>
        %add3A_360 = arith.addf %select_n3A_339, %select_n3A_344 : vector<16xf32>
        %add3A_361 = arith.addf %add3A_360, %select_n3A_349 : vector<16xf32>
        %add3A_362 = arith.addf %add3A_361, %select_n3A_354 : vector<16xf32>
        %add3A_363 = arith.addf %add3A_362, %select_n3A_359 : vector<16xf32>
        %reduce_sum3A = arith.constant true
        %reduce_sum3A_364 = vector.broadcast %reduce_sum3A : i1 to vector<16xi1>
        %reduce_sum3A_365 = tpu.scan <sum>, %add3A_363 masked %reduce_sum3A_364 : vector<16xf32>, vector<16xi1> -> vector<16xf32>
        %reduce_sum3A_366 = vector.extract %reduce_sum3A_365[15] : f32 from vector<16xf32>
        %broadcast_in_dim3A_367 = vector.broadcast %reduce_sum3A_366 : f32 to vector<16xf32>
        %div3A = arith.divf %select_n3A_339, %broadcast_in_dim3A_367 : vector<16xf32>
        tpu.vector_store_idx %arg18[%broadcast_in_dim3A, %min3A_172], %div3A masked %lt3A_167 : memref<128x65xf32, #tpu.memory_space<vmem>>[vector<16xi32>, vector<16xi32>], vector<16xf32>, vector<16xi1>
        %div3A_368 = arith.divf %select_n3A_344, %broadcast_in_dim3A_367 : vector<16xf32>
        tpu.vector_store_idx %arg18[%broadcast_in_dim3A, %min3A_184], %div3A_368 masked %lt3A_178 : memref<128x65xf32, #tpu.memory_space<vmem>>[vector<16xi32>, vector<16xi32>], vector<16xf32>, vector<16xi1>
        %div3A_369 = arith.divf %select_n3A_349, %broadcast_in_dim3A_367 : vector<16xf32>
        tpu.vector_store_idx %arg18[%broadcast_in_dim3A, %min3A_196], %div3A_369 masked %lt3A_190 : memref<128x65xf32, #tpu.memory_space<vmem>>[vector<16xi32>, vector<16xi32>], vector<16xf32>, vector<16xi1>
        %div3A_370 = arith.divf %select_n3A_354, %broadcast_in_dim3A_367 : vector<16xf32>
        tpu.vector_store_idx %arg18[%broadcast_in_dim3A, %min3A_208], %div3A_370 masked %lt3A_202 : memref<128x65xf32, #tpu.memory_space<vmem>>[vector<16xi32>, vector<16xi32>], vector<16xf32>, vector<16xi1>
        %div3A_371 = arith.divf %select_n3A_359, %broadcast_in_dim3A_367 : vector<16xf32>
        tpu.vector_store_idx %arg18[%broadcast_in_dim3A, %min3A_220], %div3A_371 masked %lt3A_214 : memref<128x65xf32, #tpu.memory_space<vmem>>[vector<16xi32>, vector<16xi32>], vector<16xf32>, vector<16xi1>
        %scan3A_372 = arith.constant 0 : i32
        scf.yield %scan3A_372 : i32
      }
      %scan3A_276 = arith.constant 8 : i32
      %add3A_277 = arith.constant 2 : i32
      %add3A_278 = arith.addi %add3A_259, %add3A_277 : i32
      %lt3A_279 = arith.constant 16 : i32
      %lt3A_280 = arith.cmpi slt, %add3A_278, %lt3A_279 : i32
      %convert_element_type3A_281 = arith.extui %lt3A_280 : i1 to i32
      %cond3A_282 = arith.constant 0 : i32
      %cond3A_283 = arith.cmpi ne, %convert_element_type3A_281, %cond3A_282 : i32
      scf.if %cond3A_283 {
        %add3A_285 = arith.constant 2 : i32
        %add3A_286 = arith.addi %add3A_259, %add3A_285 : i32
        %mul3A_287 = arith.constant 520 : i32
        %mul3A_288 = arith.muli %add3A_286, %mul3A_287 : i32
        %add3A_289 = arith.constant 0 : i32
        %add3A_290 = arith.addi %mul3A_288, %add3A_289 : i32
        %multiple_of3A_291 = tpu.assume_multiple %add3A_290, 8 : i32
        %dma_start3A_292 = arith.constant 0 : i32
        %dma_start3A_293 = arith.constant 0 : i32
        %dma_start3A_294 = tpu.memref_slice %arg15[%dma_start3A_292, %dma_start3A_293] : memref<520x64xf32, #tpu.memory_space<vmem>> -> memref<104x64xf32, #tpu.memory_space<vmem>>
        %dma_start3A_295 = tpu.memref_slice %arg12[%multiple_of3A_291] : memref<8320xi32, #tpu.memory_space<vmem>> -> memref<104xi32, #tpu.memory_space<vmem>>
        %dma_start3A_296 = arith.constant 0 : i32
        %dma_start3A_297 = arith.constant 0 : i32
        %dma_start3A_298 = tpu.memref_slice %arg6[%dma_start3A_296, %dma_start3A_297] : memref<100000x64xf32, #tpu.memory_space<hbm>> -> memref<100000x64xf32, #tpu.memory_space<hbm>>
        tpu.enqueue_indirect_dma source(%dma_start3A_298 : memref<100000x64xf32, #tpu.memory_space<hbm>>) target(%dma_start3A_294 : memref<104x64xf32, #tpu.memory_space<vmem>>) offsets(%dma_start3A_295 : memref<104xi32, #tpu.memory_space<vmem>>) semaphore(%arg21 : memref<!tpu.dma_semaphore, #tpu.memory_space<semaphore_mem>>)
        %dma_start3A_299 = arith.constant 0 : i32
        %dma_start3A_300 = tpu.memref_slice %arg17[%dma_start3A_299] : memref<520xf32, #tpu.memory_space<vmem>> -> memref<104xf32, #tpu.memory_space<vmem>>
        %dma_start3A_301 = tpu.memref_slice %arg12[%multiple_of3A_291] : memref<8320xi32, #tpu.memory_space<vmem>> -> memref<104xi32, #tpu.memory_space<vmem>>
        %dma_start3A_302 = arith.constant 0 : i32
        %dma_start3A_303 = tpu.memref_slice %arg7[%dma_start3A_302] : memref<100000xf32, #tpu.memory_space<hbm>> -> memref<100000xf32, #tpu.memory_space<hbm>>
        tpu.enqueue_indirect_dma source(%dma_start3A_303 : memref<100000xf32, #tpu.memory_space<hbm>>) target(%dma_start3A_300 : memref<104xf32, #tpu.memory_space<vmem>>) offsets(%dma_start3A_301 : memref<104xi32, #tpu.memory_space<vmem>>) semaphore(%arg23 : memref<!tpu.dma_semaphore, #tpu.memory_space<semaphore_mem>>)
        %mul3A_304 = arith.constant 520 : i32
        %mul3A_305 = arith.muli %add3A_286, %mul3A_304 : i32
        %add3A_306 = arith.constant 104 : i32
        %add3A_307 = arith.addi %mul3A_305, %add3A_306 : i32
        %multiple_of3A_308 = tpu.assume_multiple %add3A_307, 8 : i32
        %dma_start3A_309 = arith.constant 104 : i32
        %dma_start3A_310 = arith.constant 0 : i32
        %dma_start3A_311 = tpu.memref_slice %arg15[%dma_start3A_309, %dma_start3A_310] : memref<520x64xf32, #tpu.memory_space<vmem>> -> memref<104x64xf32, #tpu.memory_space<vmem>>
        %dma_start3A_312 = tpu.memref_slice %arg12[%multiple_of3A_308] : memref<8320xi32, #tpu.memory_space<vmem>> -> memref<104xi32, #tpu.memory_space<vmem>>
        %dma_start3A_313 = arith.constant 0 : i32
        %dma_start3A_314 = arith.constant 0 : i32
        %dma_start3A_315 = tpu.memref_slice %arg6[%dma_start3A_313, %dma_start3A_314] : memref<100000x64xf32, #tpu.memory_space<hbm>> -> memref<100000x64xf32, #tpu.memory_space<hbm>>
        tpu.enqueue_indirect_dma source(%dma_start3A_315 : memref<100000x64xf32, #tpu.memory_space<hbm>>) target(%dma_start3A_311 : memref<104x64xf32, #tpu.memory_space<vmem>>) offsets(%dma_start3A_312 : memref<104xi32, #tpu.memory_space<vmem>>) semaphore(%arg21 : memref<!tpu.dma_semaphore, #tpu.memory_space<semaphore_mem>>)
        %dma_start3A_316 = arith.constant 104 : i32
        %dma_start3A_317 = tpu.memref_slice %arg17[%dma_start3A_316] : memref<520xf32, #tpu.memory_space<vmem>> -> memref<104xf32, #tpu.memory_space<vmem>>
        %dma_start3A_318 = tpu.memref_slice %arg12[%multiple_of3A_308] : memref<8320xi32, #tpu.memory_space<vmem>> -> memref<104xi32, #tpu.memory_space<vmem>>
        %dma_start3A_319 = arith.constant 0 : i32
        %dma_start3A_320 = tpu.memref_slice %arg7[%dma_start3A_319] : memref<100000xf32, #tpu.memory_space<hbm>> -> memref<100000xf32, #tpu.memory_space<hbm>>
        tpu.enqueue_indirect_dma source(%dma_start3A_320 : memref<100000xf32, #tpu.memory_space<hbm>>) target(%dma_start3A_317 : memref<104xf32, #tpu.memory_space<vmem>>) offsets(%dma_start3A_318 : memref<104xi32, #tpu.memory_space<vmem>>) semaphore(%arg23 : memref<!tpu.dma_semaphore, #tpu.memory_space<semaphore_mem>>)
        %mul3A_321 = arith.constant 520 : i32
        %mul3A_322 = arith.muli %add3A_286, %mul3A_321 : i32
        %add3A_323 = arith.constant 208 : i32
        %add3A_324 = arith.addi %mul3A_322, %add3A_323 : i32
        %multiple_of3A_325 = tpu.assume_multiple %add3A_324, 8 : i32
        %dma_start3A_326 = arith.constant 208 : i32
        %dma_start3A_327 = arith.constant 0 : i32
        %dma_start3A_328 = tpu.memref_slice %arg15[%dma_start3A_326, %dma_start3A_327] : memref<520x64xf32, #tpu.memory_space<vmem>> -> memref<104x64xf32, #tpu.memory_space<vmem>>
        %dma_start3A_329 = tpu.memref_slice %arg12[%multiple_of3A_325] : memref<8320xi32, #tpu.memory_space<vmem>> -> memref<104xi32, #tpu.memory_space<vmem>>
        %dma_start3A_330 = arith.constant 0 : i32
        %dma_start3A_331 = arith.constant 0 : i32
        %dma_start3A_332 = tpu.memref_slice %arg6[%dma_start3A_330, %dma_start3A_331] : memref<100000x64xf32, #tpu.memory_space<hbm>> -> memref<100000x64xf32, #tpu.memory_space<hbm>>
        tpu.enqueue_indirect_dma source(%dma_start3A_332 : memref<100000x64xf32, #tpu.memory_space<hbm>>) target(%dma_start3A_328 : memref<104x64xf32, #tpu.memory_space<vmem>>) offsets(%dma_start3A_329 : memref<104xi32, #tpu.memory_space<vmem>>) semaphore(%arg21 : memref<!tpu.dma_semaphore, #tpu.memory_space<semaphore_mem>>)
        %dma_start3A_333 = arith.constant 208 : i32
        %dma_start3A_334 = tpu.memref_slice %arg17[%dma_start3A_333] : memref<520xf32, #tpu.memory_space<vmem>> -> memref<104xf32, #tpu.memory_space<vmem>>
        %dma_start3A_335 = tpu.memref_slice %arg12[%multiple_of3A_325] : memref<8320xi32, #tpu.memory_space<vmem>> -> memref<104xi32, #tpu.memory_space<vmem>>
        %dma_start3A_336 = arith.constant 0 : i32
        %dma_start3A_337 = tpu.memref_slice %arg7[%dma_start3A_336] : memref<100000xf32, #tpu.memory_space<hbm>> -> memref<100000xf32, #tpu.memory_space<hbm>>
        tpu.enqueue_indirect_dma source(%dma_start3A_337 : memref<100000xf32, #tpu.memory_space<hbm>>) target(%dma_start3A_334 : memref<104xf32, #tpu.memory_space<vmem>>) offsets(%dma_start3A_335 : memref<104xi32, #tpu.memory_space<vmem>>) semaphore(%arg23 : memref<!tpu.dma_semaphore, #tpu.memory_space<semaphore_mem>>)
        %mul3A_338 = arith.constant 520 : i32
        %mul3A_339 = arith.muli %add3A_286, %mul3A_338 : i32
        %add3A_340 = arith.constant 312 : i32
        %add3A_341 = arith.addi %mul3A_339, %add3A_340 : i32
        %multiple_of3A_342 = tpu.assume_multiple %add3A_341, 8 : i32
        %dma_start3A_343 = arith.constant 312 : i32
        %dma_start3A_344 = arith.constant 0 : i32
        %dma_start3A_345 = tpu.memref_slice %arg15[%dma_start3A_343, %dma_start3A_344] : memref<520x64xf32, #tpu.memory_space<vmem>> -> memref<104x64xf32, #tpu.memory_space<vmem>>
        %dma_start3A_346 = tpu.memref_slice %arg12[%multiple_of3A_342] : memref<8320xi32, #tpu.memory_space<vmem>> -> memref<104xi32, #tpu.memory_space<vmem>>
        %dma_start3A_347 = arith.constant 0 : i32
        %dma_start3A_348 = arith.constant 0 : i32
        %dma_start3A_349 = tpu.memref_slice %arg6[%dma_start3A_347, %dma_start3A_348] : memref<100000x64xf32, #tpu.memory_space<hbm>> -> memref<100000x64xf32, #tpu.memory_space<hbm>>
        tpu.enqueue_indirect_dma source(%dma_start3A_349 : memref<100000x64xf32, #tpu.memory_space<hbm>>) target(%dma_start3A_345 : memref<104x64xf32, #tpu.memory_space<vmem>>) offsets(%dma_start3A_346 : memref<104xi32, #tpu.memory_space<vmem>>) semaphore(%arg21 : memref<!tpu.dma_semaphore, #tpu.memory_space<semaphore_mem>>)
        %dma_start3A_350 = arith.constant 312 : i32
        %dma_start3A_351 = tpu.memref_slice %arg17[%dma_start3A_350] : memref<520xf32, #tpu.memory_space<vmem>> -> memref<104xf32, #tpu.memory_space<vmem>>
        %dma_start3A_352 = tpu.memref_slice %arg12[%multiple_of3A_342] : memref<8320xi32, #tpu.memory_space<vmem>> -> memref<104xi32, #tpu.memory_space<vmem>>
        %dma_start3A_353 = arith.constant 0 : i32
        %dma_start3A_354 = tpu.memref_slice %arg7[%dma_start3A_353] : memref<100000xf32, #tpu.memory_space<hbm>> -> memref<100000xf32, #tpu.memory_space<hbm>>
        tpu.enqueue_indirect_dma source(%dma_start3A_354 : memref<100000xf32, #tpu.memory_space<hbm>>) target(%dma_start3A_351 : memref<104xf32, #tpu.memory_space<vmem>>) offsets(%dma_start3A_352 : memref<104xi32, #tpu.memory_space<vmem>>) semaphore(%arg23 : memref<!tpu.dma_semaphore, #tpu.memory_space<semaphore_mem>>)
        %mul3A_355 = arith.constant 520 : i32
        %mul3A_356 = arith.muli %add3A_286, %mul3A_355 : i32
        %add3A_357 = arith.constant 416 : i32
        %add3A_358 = arith.addi %mul3A_356, %add3A_357 : i32
        %multiple_of3A_359 = tpu.assume_multiple %add3A_358, 8 : i32
        %dma_start3A_360 = arith.constant 416 : i32
        %dma_start3A_361 = arith.constant 0 : i32
        %dma_start3A_362 = tpu.memref_slice %arg15[%dma_start3A_360, %dma_start3A_361] : memref<520x64xf32, #tpu.memory_space<vmem>> -> memref<104x64xf32, #tpu.memory_space<vmem>>
        %dma_start3A_363 = tpu.memref_slice %arg12[%multiple_of3A_359] : memref<8320xi32, #tpu.memory_space<vmem>> -> memref<104xi32, #tpu.memory_space<vmem>>
        %dma_start3A_364 = arith.constant 0 : i32
        %dma_start3A_365 = arith.constant 0 : i32
        %dma_start3A_366 = tpu.memref_slice %arg6[%dma_start3A_364, %dma_start3A_365] : memref<100000x64xf32, #tpu.memory_space<hbm>> -> memref<100000x64xf32, #tpu.memory_space<hbm>>
        tpu.enqueue_indirect_dma source(%dma_start3A_366 : memref<100000x64xf32, #tpu.memory_space<hbm>>) target(%dma_start3A_362 : memref<104x64xf32, #tpu.memory_space<vmem>>) offsets(%dma_start3A_363 : memref<104xi32, #tpu.memory_space<vmem>>) semaphore(%arg21 : memref<!tpu.dma_semaphore, #tpu.memory_space<semaphore_mem>>)
        %dma_start3A_367 = arith.constant 416 : i32
        %dma_start3A_368 = tpu.memref_slice %arg17[%dma_start3A_367] : memref<520xf32, #tpu.memory_space<vmem>> -> memref<104xf32, #tpu.memory_space<vmem>>
        %dma_start3A_369 = tpu.memref_slice %arg12[%multiple_of3A_359] : memref<8320xi32, #tpu.memory_space<vmem>> -> memref<104xi32, #tpu.memory_space<vmem>>
        %dma_start3A_370 = arith.constant 0 : i32
        %dma_start3A_371 = tpu.memref_slice %arg7[%dma_start3A_370] : memref<100000xf32, #tpu.memory_space<hbm>> -> memref<100000xf32, #tpu.memory_space<hbm>>
        tpu.enqueue_indirect_dma source(%dma_start3A_371 : memref<100000xf32, #tpu.memory_space<hbm>>) target(%dma_start3A_368 : memref<104xf32, #tpu.memory_space<vmem>>) offsets(%dma_start3A_369 : memref<104xi32, #tpu.memory_space<vmem>>) semaphore(%arg23 : memref<!tpu.dma_semaphore, #tpu.memory_space<semaphore_mem>>)
      } else {
      }
      %scan3A_284 = arith.constant 0 : i32
      scf.yield %scan3A_284 : i32
    }
    %scan3A_227 = arith.constant 8 : i32
    "tpu.region"() ({
      %run_scoped3A = tpu.sem_alloc : memref<!tpu.dma_semaphore, #tpu.memory_space<semaphore_mem>>
      %dma_start3A_228 = arith.constant 0 : i32
      %dma_start3A_229 = tpu.memref_slice %arg8[%multiple_of3A, %dma_start3A_228] : memref<4096x65xf32, #tpu.memory_space<hbm>> -> memref<128x65xf32, #tpu.memory_space<hbm>>
      %dma_start3A_230 = arith.constant 0 : i32
      %dma_start3A_231 = tpu.memref_slice %arg8[%multiple_of3A, %dma_start3A_230] : memref<4096x65xf32, #tpu.memory_space<hbm>> -> memref<128x65xf32, #tpu.memory_space<hbm>>
      tpu.enqueue_dma source(%arg18 : memref<128x65xf32, #tpu.memory_space<vmem>>) target(%dma_start3A_231 : memref<128x65xf32, #tpu.memory_space<hbm>>) target_semaphore(%run_scoped3A : memref<!tpu.dma_semaphore, #tpu.memory_space<semaphore_mem>>)
      %dma_wait3A_232 = arith.constant 0 : i32
      %dma_wait3A_233 = tpu.memref_slice %arg8[%multiple_of3A, %dma_wait3A_232] : memref<4096x65xf32, #tpu.memory_space<hbm>> -> memref<128x65xf32, #tpu.memory_space<hbm>>
      %dma_wait3A_234 = arith.constant 0 : i32
      %dma_wait3A_235 = tpu.memref_slice %arg8[%multiple_of3A, %dma_wait3A_234] : memref<4096x65xf32, #tpu.memory_space<hbm>> -> memref<128x65xf32, #tpu.memory_space<hbm>>
      tpu.wait_dma2 semaphore(%run_scoped3A : memref<!tpu.dma_semaphore, #tpu.memory_space<semaphore_mem>>) src(%arg18 : memref<128x65xf32, #tpu.memory_space<vmem>>) dst(%dma_wait3A_235 : memref<128x65xf32, #tpu.memory_space<hbm>>)
      tpu.yield
    }) : () -> ()
    return
  }
}

</mosaic_0001>

<sc_bundles>
// kernel: kernel.3.cloned.1.call-start
scs
__scs_entry_jumppad:
0x0: {  	(pc) =	sbr.rel $0x88, $3  }
0x1: {  	(tag) =	ssettag $0x0;
	lr =	simm.s32 $0x1  }
0x2: {  	[smem:$0x3F9C] =	sst lr;
	_ =	strace $0xD0000000  }
0x3: {  	_ = 	snop  }
0x4: {  	_ = 	snop  }
0x5: {  	_ = 	snop  }
0x6: {  	_ = 	snop  }
0x7: {  	_ = 	snop  }
__scs_overlays_trampoline_lowered:
0x8: {  	[smem:$0x3FAB] =	sst s0  }
0x9: {  	[smem:$0x3FAC] =	sst s1  }
0xa: {  	[smem:$0x3FAD] =	sst s2  }
0xb: {  	[smem:$0x3FAE] =	sst s3  }
0xc: {  	[smem:$0x3FAF] =	sst s4  }
0xd: {  	[smem:$0x3FB0] =	sst s5  }
0xe: {  	[smem:$0x3FB1] =	sst s6  }
0xf: {  	[smem:$0x3FB2] =	sst s7  }
0x10: {  	[smem:$0x3FB3] =	sst s8  }
0x11: {  	[smem:$0x3FB4] =	sst s9;
	s0 =	simm.s32 @!p0 $0x0  }
0x12: {  	s1 =	sld [smem:$0x3F9A];
	s0 =	simm.s32 @p0 $0x1  }
0x13: {  	[smem:$0x3FB5] =	sst s0;
	s0 =	simm.s32 @!p1 $0x0  }
0x14: {  	s2 =	sld [smem:$0x3F99];
	s0 =	simm.s32 @p1 $0x1  }
0x15: {  	[smem:$0x3FB6] =	sst s0;
	s0 =	simm.s32 @!p2 $0x0  }
0x16: {  	s3 =	sld [smem:$0x3FDB];
	s0 =	simm.s32 @p2 $0x1  }
0x17: {  	s4 =	simm.s32 $0x1BF5;
	[smem:$0x3FB8] =	sst s0  }
0x18: {  	s0 =	sld [smem:$0x3F9B];
	_ =	swait.ge [sflag:s4], $0x0  }
0x19: {  	s7 =	sld [smem:$0x3F9C]  }
0x1a: {  	s8 =	sadd.s32 $0xFFFFE003, lr  }
0x1b: {  	s9 =	sadd.s32 $0xFFFFFEF7, lr;
	s5 =	simm.s32 $0xFFFFFFFF;
	p2 =	slt.u32 s8, $0xFFFFF086  }
0x1c: {  	p1 =	slt.u32 s9, $0xF7A;
	s5 =	simm.s32 @!p2 $0x0  }
0x1d: {  	s5 =	simm.s32 @p1 $0x1;
	p0 =	seq.s32 s7, s2  }
0x1e: {  	s7 =	smul.u32 @!p0 $0xF7A, s2;
	p2 =	seq.s32 @!p0 s5, $0x0  }
0x1f: {  	s9 =	smul.u32 $0xF7A, s1;
	s8 =	simm.s32 @!p0 $0x1BF5;
	p2 =	por !p2, p0  }
0x20: {  	[sflag:s8] =	ssyncset.s32 @!p0 $0xFFFFF086;
	s6 =	sadd.s32 @!p0 s3, s7;
	s7 =	simm.s32 @!p0 $0x108  }
0x21: {  	s3 =	sadd.s32 s3, s9;
	s6 =	sadd.s32 @!p0 $0x88, s6;
	s7 =	simm.s32 @p2 $0x1082  }
0x22: {  	[simem:s7], [sflag:s8] =	dma.local @!p0 [hbm:s6], $0xF7A  }
0x23: {  	s9 =	sor.u32 $0xD0000000, s2;
	s6 =	simm.s32 $0x108;
	_ =	swait.ge @!p0 [sflag:s8], $0x0  }
0x24: {  	s3 =	sadd.s32 $0x88, s3;
	s6 =	simm.s32 @!p1 $0x1082;
	[sflag:s4] =	ssyncset.s32 $0xFFFFF086  }
0x25: {  	[simem:s6], [sflag:s4] =	dma.local [hbm:s3], $0xF7A  }
0x26: {  	[smem:$0x3F9C] =	sst s1;
	(tag) =	ssettag s2;
	_ =	strace s9  }
0x27: {  	s1 =	sld [smem:$0x3FAC]  }
0x28: {  	s2 =	sld [smem:$0x3FAD]  }
0x29: {  	s4 =	sld [smem:$0x3FAF]  }
0x2a: {  	p0 =	seq.s32 s5, $0x0;
	s5 =	sld [smem:$0x3FB0]  }
0x2b: {  	s6 =	sld [smem:$0x3FB1]  }
0x2c: {  	s7 =	sld [smem:$0x3FB2]  }
0x2d: {  	s3 =	simm.s32 $0x108;
	s8 =	sld [smem:$0x3FB3]  }
0x2e: {  	s3 =	simm.s32 @!p0 $0x1082;
	s9 =	sld [smem:$0x3FB4]  }
0x2f: {  	lr =	sadd.s32 s0, s3;
	s0 =	sld [smem:$0x3FAB]  }
0x30: {  	s3 =	sld [smem:$0x3FAE]  }
0x31: {  	[smem:$0x3FB7] =	sst s10  }
0x32: {  	s10 =	sld [smem:$0x3FB5];
	_ =	sdelay $0x3  }
0x33: {  	p0 =	seq.s32 s10, $0x1;
	s10 =	sld [smem:$0x3FB7];
	_ =	sdelay $0x3  }
0x34: {  	[smem:$0x3FB7] =	sst s10  }
0x35: {  	s10 =	sld [smem:$0x3FB6];
	_ =	sdelay $0x3  }
0x36: {  	p1 =	seq.s32 s10, $0x1;
	s10 =	sld [smem:$0x3FB7];
	_ =	sdelay $0x3  }
0x37: {  	[smem:$0x3FB7] =	sst s10  }
0x38: {  	s10 =	sld [smem:$0x3FB8]  }
0x39: {  	_ = 	snop;
	(pc) =	sbr.ind lr, $3  }
0x3a: {  	_ = 	snop  }
0x3b: {  	_ = 	snop  }
0x3c: {  	p2 =	seq.s32 s10, $0x1;
	s10 =	sld [smem:$0x3FB7]  }
0x3d: {  	_ =	shalt  }
0x3e: {  	_ =	shalt  }
0x3f: {  	_ =	shalt  }
0x40: {  	_ =	shalt  }
0x41: {  	_ =	shalt  }
0x42: {  	_ =	shalt  }
0x43: {  	_ =	shalt  }
0x44: {  	_ =	shalt  }
0x45: {  	_ =	shalt  }
0x46: {  	_ =	shalt  }
0x47: {  	_ =	shalt  }
0x48: {  	_ =	shalt  }
0x49: {  	_ =	shalt  }
0x4a: {  	_ =	shalt  }
0x4b: {  	_ =	shalt  }
0x4c: {  	_ =	shalt  }
0x4d: {  	_ =	shalt  }
0x4e: {  	_ =	shalt  }
0x4f: {  	_ =	shalt  }
0x50: {  	_ =	shalt  }
0x51: {  	_ =	shalt  }
0x52: {  	_ =	shalt  }
0x53: {  	_ =	shalt  }
0x54: {  	_ =	shalt  }
0x55: {  	_ =	shalt  }
0x56: {  	_ =	shalt  }
0x57: {  	_ =	shalt  }
0x58: {  	_ =	shalt  }
0x59: {  	_ =	shalt  }
0x5a: {  	_ =	shalt  }
0x5b: {  	_ =	shalt  }
0x5c: {  	_ =	shalt  }
0x5d: {  	_ =	shalt  }
0x5e: {  	_ =	shalt  }
0x5f: {  	_ =	shalt  }
0x60: {  	_ =	shalt  }
0x61: {  	_ =	shalt  }
0x62: {  	_ =	shalt  }
0x63: {  	_ =	shalt  }
0x64: {  	_ =	shalt  }
0x65: {  	_ =	shalt  }
0x66: {  	_ =	shalt  }
0x67: {  	_ =	shalt  }
0x68: {  	_ =	shalt  }
0x69: {  	_ =	shalt  }
0x6a: {  	_ =	shalt  }
0x6b: {  	_ =	shalt  }
0x6c: {  	_ =	shalt  }
0x6d: {  	_ =	shalt  }
0x6e: {  	_ =	shalt  }
0x6f: {  	_ =	shalt  }
0x70: {  	_ =	shalt  }
0x71: {  	_ =	shalt  }
0x72: {  	_ =	shalt  }
0x73: {  	_ =	shalt  }
0x74: {  	_ =	shalt  }
0x75: {  	_ =	shalt  }
0x76: {  	_ =	shalt  }
0x77: {  	_ =	shalt  }
0x78: {  	_ =	shalt  }
0x79: {  	_ =	shalt  }
0x7a: {  	_ =	shalt  }
0x7b: {  	_ =	shalt  }
0x7c: {  	_ =	shalt  }
0x7d: {  	_ =	shalt  }
0x7e: {  	_ =	shalt  }
0x7f: {  	_ =	shalt  }
0x80: {  	_ =	shalt  }
0x81: {  	_ =	shalt  }
0x82: {  	_ =	shalt  }
0x83: {  	_ =	shalt  }
0x84: {  	_ =	shalt  }
0x85: {  	_ =	shalt  }
0x86: {  	_ =	shalt  }
0x87: {  	_ =	shalt  }
.Lfunc_end0:
.L_simem_size_0:
called_computation_lowered:
.L_overlay_start_0:
0x88: {  	s2 =	sld [smem:$0x3FD9]  }
0x89: {  	s3 =	sld [smem:$0x3FFE];
	_ =	sdelay $0x1  }
0x8a: {  	s1 =	srdreg.scid  }
0x8b: {  	s0 =	sand.u32 $0x1, s1  }
0x8c: {  	s17 =	sshll.u32 s0, $0xA;
	s2 =	sadd.s32 s3, s2  }
0x8d: {  	s2 =	sadd.s32 s2, s17  }
0x8e: {  	[smem:$0x3FC3] =	sst s2  }
0x8f: {  	_ = 	snop  }
0x90: {  	s2 =	sld [smem:$0x3FC9]  }
0x91: {  	s18 =	sld [smem:$0x3FC8]  }
0x92: {  	s4 =	sld [smem:$0x3FD0];
	(tm) =	ssettm $0x1  }
0x93: {  	s5 =	sld [smem:$0x3FFB];
	_ =	sdelay $0x3  }
0x94: {  	_ =	strace s5  }
0x95: {  	s5 =	sld [smem:$0x3FFC];
	_ =	sdelay $0x3  }
0x96: {  	_ =	strace s5  }
0x97: {  	s5 =	sld [smem:$0x3FFD];
	_ =	sdelay $0x3  }
0x98: {  	_ =	strace s5  }
0x99: {  	_ =	strace $0x8FFFFFFF  }
0x9a: {  	s19 =	sld [smem:$0x3FDB];
	_ =	sdelay $0x1  }
0x9b: {  	s6 =	simm.s32 $_scs_section_size  }
0x9c: {  	s7 =	simm.s32 $_size__tile_overlayer_lowered;
	s8 =	simm.s32 $_tile_overlayer_lowered  }
0x9d: {  	s22 =	simm.s32 $0x1BFF;
	s21 =	sshll.u32 s8, $0x1;
	s5 =	sadd.s32 s6, s19  }
0x9e: {  	s9 =	simm.s32 $0x0;
	s20 =	sshll.u32 s7, $0x1;
	s7 =	sadd.s32 s21, s5  }
0x9f: {  	[timem:s9], [sflag:s22] =	dma.local [hbm:s7], s20  }
0xa0: {  	_ =	swait.ge [sflag:s22], s20  }
0xa1: {  	s6 =	ssub.s32 $0x0, s20;
	[sflag:s22] =	ssyncset.done $0x0  }
0xa2: {  	[sflag:s22] =	ssyncadd.s32 s6;
	_ =	sdelay $0x1  }
0xa3: {  	s23 =	simm.s32 $0x1B8B  }
0xa4: {  	_ =	swait.ge [sflag:s23], $0x1  }
0xa5: {  	[sflag:s23] =	ssyncset.done $0x0  }
0xa6: {  	s25 =	simm.s32 $0x1B8E;
	s24 =	sld [smem:$0x3FFE];
	[sflag:s23] =	ssyncadd.s32 $0xFFFFFFFF  }
0xa7: {  	s26 =	simm.s32 $execute0_lowered;
	[smem:$0x3FD2] =	sst s25  }
0xa8: {  	s7 =	sshll.u32 s26, $0x1;
	_ =	strace $0x80000046;
	[dreg:$0x1] =	wrdreg $0xFFFFFFFF  }
0xa9: {  	s28 =	simm.s32 $_size_execute0_lowered;
	s5 =	sadd.s32 s5, s7;
	[dreg:$0x0] =	wrdreg $0x0  }
0xaa: {  	s7 =	sshll.u32 s28, $0x1;
	[dreg:$0x2] =	wrdreg s5  }
0xab: {  	[dreg:$0x3] =	wrdreg s7  }
0xac: {  	[dreg:$0x4] =	wrdreg $0xC0  }
0xad: {  	_ =	task [dreg:s9], $0x5FFFF  }
0xae: {  	[dreg:$0x1] =	wrdreg $0xFFFFFFFF  }
0xaf: {  	[dreg:$0x0] =	wrdreg $0x60  }
0xb0: {  	[dreg:$0x2] =	wrdreg s18  }
0xb1: {  	[dreg:$0x3] =	wrdreg s2  }
0xb2: {  	[dreg:$0x4] =	wrdreg s24  }
0xb3: {  	[dreg:$0x5] =	wrdreg s4  }
0xb4: {  	[dreg:$0x6] =	wrdreg $0x9  }
0xb5: {  	_ =	task.clear_ibuf [dreg:s9], $0x7FFFF;
	_ =	strace $0x90000046  }
0xb6: {  	s29 =	simm.s32 $0x9;
	_ =	strace $0x80000048  }
0xb7: {  	_ =	swait.ge [sflag:s29], $0x1  }
0xb8: {  	[sflag:s29] =	ssyncadd.s32 $0xFFFFFFFF  }
0xb9: {  	_ =	strace $0x90000048  }
0xba: {  	_ =	sfence  }
0xbb: {  	s30 =	sld [smem:$0x0];
	_ =	sdelay $0x2  }
0xbc: {  	s31 =	sshll.u32 s1, $0xD;
	s1 =	sshrl.u32 s1, $0x2  }
0xbd: {  	s3 =	sand.u32 $0x4000, s31;
	s1 =	sadd.s32 s1, s30  }
0xbe: {  	s0 =	sor.u32 s3, s0;
	s1 =	sshll.u32 s1, $0x11  }
0xbf: {  	s0 =	sor.u32 s1, s0  }
0xc0: {  	s0 =	sadd.s32 $0x8F2B, s0  }
0xc1: {  	[sflag:s0] =	ssyncadd.remote.s32 $0x1  }
0xc2: {  	_ =	sfence.sel $0xFFFF  }
0xc3: {  	[dreg:$0x0] =	wrdreg $0xFFFFFFFF;
	(pc) =	sbr.abs _section_cstart, $3  }
0xc4: {  	[dreg:$0x1] =	wrdreg $0xFFFFFFFF  }
0xc5: {  	_ =	task.clear_ibuf [dreg:s9], $0x2FFFF;
	_ =	strace $0x9FFFFFFF  }
0xc6: {  	(tm) =	ssettm $0x7FFFFFFF  }
0xc7: {  	_ =	shalt  }
tec
execute0_lowered:
.L_overlay_start_1:
0x0: {  	(tag) =	ssettag $0x1  }
0x1: {  	s0 =	rddreg [dreg:$0x0]  }
0x2: {  	s1 =	rddreg [dreg:$0x1]  }
0x3: {  	s2 =	rddreg [dreg:$0x2]  }
0x4: {  	s3 =	srdreg.scid;
	s4 =	stileid.u32  }
0x5: {  	s6 =	rddreg [dreg:$0x3];
	s11 =	simm.s32 $0x0;
	s13 =	simm.s32 $0x6  }
0x6: {  	s12 =	simm.s32 $0x4180;
	s14 =	simm.s32 $0x2100;
	s15 =	simm.s32 $0x68  }
0x7: {  	s16 =	simm.s32 $0x6180;
	s17 =	simm.s32 $0x16580;
	s19 =	simm.s32 $0xFD80  }
0x8: {  	s20 =	simm.s32 $0x167F0;
	s29 =	simm.s32 $0x13180;
	s30 =	simm.s32 $0x168C0  }
0x9: {  	s21 =	simm.s32 $0x16928;
	s28 =	simm.s32 $0x4;
	s3 =	sand.u32 $0x1, s3  }
0xa: {  	s4 =	sshll.u32 s4, $0x1;
	[smem:$0x7FF] =	sst s11;
	s22 =	sadd.s32 $0x254200, s2  }
0xb: {  	s5 =	sor.u32 s3, s4;
	_ =	strace $0x80000047;
	s3 =	ssub.s32 $0x2, s3  }
0xc: {  	[dreg:$0x5] =	wrdreg s22;
	s4 =	sshll.u32 s5, $0xA;
	s8 =	sshrl.u32 s3, $0x1  }
0xd: {  	s9 =	sshll.u32 s5, $0x4;
	s10 =	smul.u32 $0x480, s5;
	s5 =	sadd.s32 $0xA200, s2  }
0xe: {  	s7 =	sadd.s32 s4, s2;
	s4 =	sadd.s32 $0x190C00, s2;
	s23 =	ssub.s32 s3, s8  }
0xf: {  	v61 =	vlaneseq.u32;
	s0 =	sadd.s32 s0, s9;
	s24 =	sadd.s32 s1, s9;
	s1 =	simm.s32 $0xE380  }
0x10: {  	v53 =	vand.u32 $0x7, v61;
	s3 =	simm.s32 $0x14B80;
	s8 =	simm.s32 $0x3;
	[dreg:$0x6] =	wrdreg s0  }
.Ltmp0:
0x11: {  	v11 =	vor.u32 $0x10, v61;
	[tilespmem:$0x1FFC0] =	vst v53;
	s9 =	simm.s32 $0x5;
	[dreg:$0x7] =	wrdreg s24;
	(pc) =	sbr.rel .LBB2_1-.Ltmp0, $4  }
0x12: {  	v12 =	vor.u32 $0x20, v61;
	[tilespmem:$0x1FFD0] =	vst v11;
	s25 =	sadd.s32 $0x2200, s7;
	s26 =	sadd.s32 s6, s10;
	s31 =	smax.u32 s23, $0x1  }
0x13: {  	v0 =	vmul.u32 $0x41, v61;
	v13 =	vor.u32 $0x30, v61;
	[tilespmem:$0x1FFE0] =	vst v12;
	s0 =	simm.s32 $0x16788;
	s23 =	simm.s32 $0x11780;
	[dreg:$0x8] =	wrdreg s25  }
0x14: {  	[tilespmem:$0x1FFF0] =	vst v13;
	s6 =	simm.s32 $0x2;
	s7 =	simm.s32 $0x16990;
	[dreg:$0x9] =	wrdreg s26  }
0x15: {  	vm0 =	vmmov $0x1;
	[tilespmem:$0x1FFB0] =	vst v0;
	s10 =	simm.s32 $0x0;
	[dreg:$0xa] =	wrdreg s31;
	s25 =	simm.s32 $0x16858  }
.LBB2_16:
0x16: {  	s11 =	simm.s32 $0x0;
	s2 =	rddreg [dreg:$0x9];
	s13 =	simm.s32 $0x6  }
0x17: {  	[hbm4b:s2+s11] =	stream.linear.scatter [tilespmem:s7], [sflag:$0x6], $0x2400, $0x38;
	[tilespmem:$0x18D90] =	vst v63  }
0x18: {  	_ =	swait.ge [sflag:s13], $0x2400  }
0x19: {  	s10 =	rddreg [dreg:$0xb]  }
0x1a: {  	s31 =	rddreg [dreg:$0xa];
	s10 =	sadd.s32 $0x1, s10  }
0x1b: {  	p0 =	sne.s32 s10, s31  }
.Ltmp1:
0x1c: {  	_ = 	snop;
	(pc) =	sbr.rel @!p0 .LBB2_17-.Ltmp1, $3  }
0x1d: {  	_ =	sdelay $0x1  }
0x1e: {  	[sflag:s13] =	ssyncset.done $0x0  }
0x1f: {  	v0 =	vld [tilespmem:$0x1FFB0];
	[sflag:s13] =	ssyncadd.s32 $0xFFFFDC00  }
.LBB2_1:
0x20: {  	[dreg:$0xb] =	wrdreg s10  }
0x21: {  	s2 =	rddreg [dreg:$0x6]  }
0x22: {  	[tilespmem:s11], [sflag:$0x6] =	stream.linear.gather [hbm4b:s2+s11], $0x80, $0x38;
	[tilespmem:$0x18D90] =	vst v63  }
0x23: {  	_ =	swait.ge [sflag:s13], $0x80  }
0x24: {  	[sflag:s13] =	ssyncset.done $0x0  }
0x25: {  	s2 =	simm.s32 $0x80;
	s22 =	rddreg [dreg:$0x5];
	[sflag:s13] =	ssyncadd.s32 $0xFFFFFF80  }
0x26: {  	[tilespmem:s12], [sflag:$0x1] =	stream.indirect.gather [hbm4b:s22+s2], $0x40, s11, s2, $0xb8;
	[tilespmem:$0x18D90] =	vst v63  }
0x27: {  	s24 =	rddreg [dreg:$0x7]  }
0x28: {  	[tilespmem:s2], [sflag:$0x6] =	stream.linear.gather [hbm4b:s24+s11], $0x80, $0x38;
	[tilespmem:$0x18D90] =	vst v63  }
0x29: {  	v6 =	vmov s11;
	_ =	swait.ge [sflag:s13], $0x80  }
0x2a: {  	s26 =	simm.s32 $0x10;
	v6 =	vmul.u32 $0x41, v6;
	[sflag:s13] =	ssyncset.done $0x0  }
0x2b: {  	s18 =	simm.s32 $0x100;
	s31 =	rddreg [dreg:$0x8];
	[sflag:s13] =	ssyncadd.s32 $0xFFFFFF80  }
0x2c: {  	v7 =	vmov s26;
	v6 =	vbroadcast v6, $0x0;
	[tilespmem:s18], [sflag:$0x6] =	stream.linear.gather [hbm4b:s31+s11], $0x2000, $0x38;
	[tilespmem:$0x18D90] =	vst v63  }
0x2d: {  	v7 =	vmul.u32 $0x41, v7;
	_ =	swait.ge [sflag:s13], $0x2000  }
0x2e: {  	v6 =	vadd.s32 v0, v6;
	[sflag:s13] =	ssyncset.done $0x0  }
0x2f: {  	v8 =	vbroadcast v7, $0x0;
	v7 =	vand.u32 $0xFFFFFFF8, v6;
	[sflag:s13] =	ssyncadd.s32 $0xFFFFE000  }
0x30: {  	v7 =	vor.u32 v53, v7;
	v6 =	vld [tilespmem:s2+$0x0];
	_ =	sdelay $0x3  }
0x31: {  	s10 =	simm.s32 $0x20;
	v8 =	vadd.s32 v0, v8  }
.LBB2_2:
0x32: {  	v9 =	vmov s10;
	p0 =	sne.s32 s10, $0x70;
	s10 =	sadd.s32 $0x10, s10;
	v8 =	vand.u32 $0xFFFFFFF8, v8;
	[tilespmem:v7+s14+$0x0] =	vst.idx.msk $0xffff, v6;
	s2 =	sadd.s32 $0x10, s2  }
.Ltmp2:
0x33: {  	v9 =	vmul.u32 $0x41, v9;
	v6 =	vld [tilespmem:s2+$0x0];
	v7 =	vor.u32 v53, v8;
	(pc) =	sbr.rel @p0 .LBB2_2-.Ltmp2, $3  }
0x34: {  	_ = 	snop  }
0x35: {  	v8 =	vbroadcast v9, $0x0;
	_ =	sdelay $0x1  }
0x36: {  	v8 =	vadd.s32 v0, v8  }
0x37: {  	_ =	sdelay $0x3  }
0x38: {  	v8 =	vand.u32 $0xFFFFFFF8, v8;
	[tilespmem:v7+s14+$0x0] =	vst.idx.msk $0xffff, v6;
	s2 =	sadd.s32 $0x10, s2  }
0x39: {  	v6 =	vld [tilespmem:s2+$0x0];
	v63 =	vor.u32 v53, v8;
	_ =	sdelay $0x3  }
0x3a: {  	s10 =	simm.s32 $0x31  }
0x3b: {  	s18 =	simm.s32 $0x1;
	s13 =	simm.s32 $0x72;
	s2 =	simm.s32 $0x120;
	[tilespmem:v63+s14+$0x0] =	vst.idx.msk $0xffff, v6  }
.LBB2_4:
0x3c: {  	p0 =	sne.s32 s13, $0x2070;
	v6 =	vld [tilespmem:s2+$0xFFFFFFE0];
	v7 =	vadd.s32 s18, v61;
	_ =	sdelay $0x4  }
0x3d: {  	s18 =	sadd.s32 $0xFFFFFFE0, s10;
	[tilespmem:v7+s14+$0x0] =	vst.idx.msk $0xffff, v6  }
0x3e: {  	v7 =	vadd.s32 s18, v61;
	v6 =	vld [tilespmem:s2+$0xFFFFFFF0];
	_ =	sdelay $0x4  }
0x3f: {  	s18 =	sadd.s32 $0xFFFFFFF0, s10;
	[tilespmem:v7+s14+$0x0] =	vst.idx.msk $0xffff, v6  }
0x40: {  	v7 =	vadd.s32 s18, v61;
	v6 =	vld [tilespmem:s2+$0x0];
	_ =	sdelay $0x4  }
0x41: {  	[tilespmem:v7+s14+$0x0] =	vst.idx.msk $0xffff, v6  }
0x42: {  	v7 =	vadd.s32 s10, v61;
	s10 =	smov.u32 s13;
	v6 =	vld [tilespmem:s2+$0x10]  }
.Ltmp3:
0x43: {  	(pc) =	sbr.rel @p0 .LBB2_4-.Ltmp3, $2  }
0x44: {  	_ =	sdelay $0x2  }
0x45: {  	s13 =	sadd.s32 $0x41, s13;
	s18 =	sadd.s32 $0xFFFFFFD0, s10;
	s2 =	sadd.s32 $0x40, s2;
	[tilespmem:v7+s14+$0x0] =	vst.idx.msk $0xffff, v6  }
0x46: {  	v6 =	vld [tilespmem:s2+$0xFFFFFFE0];
	v7 =	vadd.s32 s18, v61;
	_ =	sdelay $0x4  }
0x47: {  	s13 =	sadd.s32 $0xFFFFFFE0, s10;
	[tilespmem:v7+s14+$0x0] =	vst.idx.msk $0xffff, v6  }
0x48: {  	v60 =	vadd.s32 s13, v61;
	v6 =	vld [tilespmem:s2+$0xFFFFFFF0];
	_ =	sdelay $0x4  }
0x49: {  	s18 =	sadd.s32 $0xFFFFFFF0, s10;
	[tilespmem:v60+s14+$0x0] =	vst.idx.msk $0xffff, v6  }
0x4a: {  	v62 =	vadd.s32 s18, v61;
	v7 =	vld [tilespmem:s2+$0x0];
	_ =	sdelay $0x4  }
0x4b: {  	[tilespmem:v62+s14+$0x0] =	vst.idx.msk $0xffff, v7  }
0x4c: {  	v63 =	vadd.s32 s10, v61;
	v6 =	vld [tilespmem:s2+$0x10];
	_ =	sdelay $0x4  }
0x4d: {  	[tilespmem:v63+s14+$0x0] =	vst.idx.msk $0xffff, v6  }
0x4e: {  	[tilespmem:s16], [sflag:$0x2] =	stream.indirect.gather [hbm4b:s4+s15], $0x40, s14, s15, $0xb8;
	[tilespmem:$0x18D90] =	vst v63  }
0x4f: {  	_ = 	snop  }
0x50: {  	[tilespmem:s17], [sflag:$0x4] =	stream.indirect.gather [hbm4b:s5+s15], $0x1, s14, s15, $0xb8;
	[tilespmem:$0x18D90] =	vst v63  }
0x51: {  	s22 =	simm.s32 $0x2168;
	s24 =	simm.s32 $0x7B80  }
0x52: {  	[tilespmem:s24], [sflag:$0x2] =	stream.indirect.gather [hbm4b:s4+s15], $0x40, s22, s15, $0xb8;
	[tilespmem:$0x18D90] =	vst v63  }
0x53: {  	s26 =	simm.s32 $0x165E8  }
0x54: {  	[tilespmem:s26], [sflag:$0x4] =	stream.indirect.gather [hbm4b:s5+s15], $0x1, s22, s15, $0xb8;
	[tilespmem:$0x18D90] =	vst v63  }
0x55: {  	s31 =	simm.s32 $0x21D0;
	s11 =	simm.s32 $0x9580  }
0x56: {  	[tilespmem:s11], [sflag:$0x2] =	stream.indirect.gather [hbm4b:s4+s15], $0x40, s31, s15, $0xb8;
	[tilespmem:$0x18D90] =	vst v63  }
0x57: {  	s13 =	simm.s32 $0x16650  }
0x58: {  	[tilespmem:s13], [sflag:$0x4] =	stream.indirect.gather [hbm4b:s5+s15], $0x1, s31, s15, $0xb8;
	[tilespmem:$0x18D90] =	vst v63  }
0x59: {  	s18 =	simm.s32 $0x2238;
	s22 =	simm.s32 $0xAF80  }
0x5a: {  	[tilespmem:s22], [sflag:$0x2] =	stream.indirect.gather [hbm4b:s4+s15], $0x40, s18, s15, $0xb8;
	[tilespmem:$0x18D90] =	vst v63  }
0x5b: {  	s24 =	simm.s32 $0x166B8  }
0x5c: {  	[tilespmem:s24], [sflag:$0x4] =	stream.indirect.gather [hbm4b:s5+s15], $0x1, s18, s15, $0xb8;
	[tilespmem:$0x18D90] =	vst v63  }
0x5d: {  	s26 =	simm.s32 $0x22A0;
	s31 =	simm.s32 $0xC980  }
0x5e: {  	[tilespmem:s31], [sflag:$0x2] =	stream.indirect.gather [hbm4b:s4+s15], $0x40, s26, s15, $0xb8;
	[tilespmem:$0x18D90] =	vst v63  }
0x5f: {  	s11 =	simm.s32 $0x16720  }
0x60: {  	[tilespmem:s11], [sflag:$0x4] =	stream.indirect.gather [hbm4b:s5+s15], $0x1, s26, s15, $0xb8;
	[tilespmem:$0x18D90] =	vst v63  }
0x61: {  	s13 =	simm.s32 $0x2308  }
0x62: {  	[tilespmem:s1], [sflag:$0x3] =	stream.indirect.gather [hbm4b:s4+s15], $0x40, s13, s15, $0xb8;
	[tilespmem:$0x18D90] =	vst v63  }
0x63: {  	_ = 	snop  }
0x64: {  	[tilespmem:s0], [sflag:$0x5] =	stream.indirect.gather [hbm4b:s5+s15], $0x1, s13, s15, $0xb8;
	[tilespmem:$0x18D90] =	vst v63  }
0x65: {  	s18 =	simm.s32 $0x2370  }
0x66: {  	[tilespmem:s19], [sflag:$0x3] =	stream.indirect.gather [hbm4b:s4+s15], $0x40, s18, s15, $0xb8;
	[tilespmem:$0x18D90] =	vst v63  }
0x67: {  	_ = 	snop  }
0x68: {  	[tilespmem:s20], [sflag:$0x5] =	stream.indirect.gather [hbm4b:s5+s15], $0x1, s18, s15, $0xb8;
	[tilespmem:$0x18D90] =	vst v63  }
0x69: {  	s22 =	simm.s32 $0x23D8  }
0x6a: {  	[tilespmem:s23], [sflag:$0x3] =	stream.indirect.gather [hbm4b:s4+s15], $0x40, s22, s15, $0xb8;
	[tilespmem:$0x18D90] =	vst v63  }
0x6b: {  	_ = 	snop  }
0x6c: {  	[tilespmem:s25], [sflag:$0x5] =	stream.indirect.gather [hbm4b:s5+s15], $0x1, s22, s15, $0xb8;
	[tilespmem:$0x18D90] =	vst v63  }
0x6d: {  	s24 =	simm.s32 $0x2440  }
0x6e: {  	[tilespmem:s29], [sflag:$0x3] =	stream.indirect.gather [hbm4b:s4+s15], $0x40, s24, s15, $0xb8;
	[tilespmem:$0x18D90] =	vst v63  }
0x6f: {  	_ = 	snop  }
0x70: {  	[tilespmem:s30], [sflag:$0x5] =	stream.indirect.gather [hbm4b:s5+s15], $0x1, s24, s15, $0xb8;
	[tilespmem:$0x18D90] =	vst v63  }
0x71: {  	s26 =	simm.s32 $0x24A8  }
0x72: {  	[tilespmem:s3], [sflag:$0x3] =	stream.indirect.gather [hbm4b:s4+s15], $0x40, s26, s15, $0xb8;
	[tilespmem:$0x18D90] =	vst v63  }
0x73: {  	s31 =	simm.s32 $0x1  }
0x74: {  	[tilespmem:s21], [sflag:$0x5] =	stream.indirect.gather [hbm4b:s5+s15], $0x1, s26, s15, $0xb8;
	[tilespmem:$0x18D90] =	vst v63  }
0x75: {  	_ =	swait.ge [sflag:s31], $0x2000  }
0x76: {  	[sflag:s31] =	ssyncset.done $0x0  }
0x77: {  	s10 =	simm.s32 $0x0;
	[sflag:s31] =	ssyncadd.s32 $0xFFFFE000  }
.LBB2_6:
0x78: {  	_ =	swait.ge [sflag:s6], $0x8200  }
0x79: {  	[sflag:s6] =	ssyncset.done $0x0  }
0x7a: {  	[sflag:s6] =	ssyncadd.s32 $0xFFFF7E00  }
0x7b: {  	_ =	swait.ge [sflag:s28], $0x208  }
0x7c: {  	[sflag:s28] =	ssyncset.done $0x0  }
0x7d: {  	s13 =	sshll.u32 s10, $0x4;
	s22 =	simm.s32 $0x0;
	[sflag:s28] =	ssyncadd.s32 $0xFFFFFDF8  }
.LBB2_7:
0x7e: {  	s2 =	smul.u32 $0x41, s22;
	_ =	sdelay $0x1  }
0x7f: {  	v6 =	vadd.s32 s2, v61  }
0x80: {  	s18 =	simm.s32 $0x1;
	s24 =	sadd.s32 s13, s22;
	v11 =	vadd.s32 s2, v11  }
0x81: {  	s26 =	simm.s32 $0x2;
	v8 =	vadd.s32 s18, v61;
	v0 =	vmov s24;
	v10 =	vadd.s32 s2, v12  }
0x82: {  	v16 =	vadd.s32 s26, v61;
	v7 =	vmov s2;
	v12 =	vadd.s32 s2, v13  }
0x83: {  	v14 =	vand.u32 $0x3F, v8;
	v9 =	vshll.u32 v0, $0x6;
	v13 =	vadd.s32 $0x40, v7  }
0x84: {  	v26 =	vand.u32 $0x3F, v16;
	v23 =	vshll.u32 v6, $0x6;
	v16 =	vor.u32 v9, v14;
	v21 =	vld.idx.msk [tilespmem:v6+s17+$0x0], $0xffff  }
0x85: {  	v8 =	vshll.u32 v12, $0x6;
	v15 =	vor.u32 v23, v14;
	v20 =	vld.idx.msk [tilespmem:v11+s17+$0x0], $0xffff  }
0x86: {  	[tilespmem:$0x1FF30] =	vst v0;
	v17 =	vor.u32 v8, v14;
	v0 =	vld.idx.msk [tilespmem:v10+s17+$0x0], $0xffff  }
0x87: {  	s31 =	simm.s32 $0x3;
	v19 =	vor.u32 v9, v26;
	v28 =	vld.idx.msk [tilespmem:v12+s17+$0x0], $0xffff  }
0x88: {  	v18 =	vor.u32 v23, v26;
	v12 =	vadd.s32 s31, v61;
	v11 =	vshll.u32 v11, $0x6;
	v29 =	vld.idx.msk [tilespmem:v13+s17+$0x0], $0xffff  }
0x89: {  	v27 =	vand.u32 $0x3F, v12;
	v12 =	vshll.u32 v13, $0x6;
	v31 =	vld.idx.msk [tilespmem:v16+s12+$0x0], $0xffff;
	v13 =	vor.u32 v11, v26  }
0x8a: {  	v10 =	vshll.u32 v10, $0x6;
	v30 =	vld.idx.msk [tilespmem:v15+s16+$0x0], $0xffff;
	v15 =	vor.u32 v23, v27  }
0x8b: {  	v24 =	vld.idx.msk [tilespmem:v17+s16+$0x0], $0xffff;
	v17 =	vor.u32 v10, v26  }
0x8c: {  	v34 =	vld.idx.msk [tilespmem:v19+s12+$0x0], $0xffff;
	v16 =	vor.u32 v12, v14  }
0x8d: {  	v32 =	vld.idx.msk [tilespmem:v18+s16+$0x0], $0xffff;
	v18 =	vor.u32 v9, v27  }
0x8e: {  	s11 =	simm.s32 $0x4;
	v19 =	vor.u32 v12, v27;
	v38 =	vld.idx.msk [tilespmem:v13+s16+$0x0], $0xffff  }
0x8f: {  	v22 =	vadd.s32 s11, v61;
	v35 =	vld.idx.msk [tilespmem:v15+s16+$0x0], $0xffff;
	v15 =	vor.u32 v8, v26  }
0x90: {  	v37 =	vand.u32 $0x3F, v22;
	v33 =	vld.idx.msk [tilespmem:v17+s16+$0x0], $0xffff;
	v17 =	vor.u32 v8, v27  }
0x91: {  	v39 =	vld.idx.msk [tilespmem:v16+s16+$0x0], $0xffff;
	v16 =	vor.u32 v12, v37  }
0x92: {  	v22 =	vld.idx.msk [tilespmem:v18+s12+$0x0], $0xffff;
	v18 =	vor.u32 v10, v37  }
0x93: {  	s18 =	simm.s32 $0x0;
	v25 =	vor.u32 v11, v14;
	v40 =	vld.idx.msk [tilespmem:v19+s16+$0x0], $0xffff  }
0x94: {  	v19 =	vor.u32 v10, v14;
	v14 =	vadd.s32 s18, v61;
	v41 =	vld.idx.msk [tilespmem:v15+s16+$0x0], $0xffff  }
0x95: {  	v36 =	vor.u32 v9, v37;
	v1 =	vor.u32 v53, v9;
	v43 =	vand.u32 $0x38, v14;
	v42 =	vld.idx.msk [tilespmem:v17+s16+$0x0], $0xffff  }
0x96: {  	v44 =	vor.u32 v1, v43;
	v49 =	vld.idx.msk [tilespmem:v16+s16+$0x0], $0xffff;
	[tilespmem:$0x1FF40] =	vst v1  }
0x97: {  	s24 =	simm.s32 $0x5;
	v2 =	vor.u32 v53, v12;
	v17 =	vor.u32 v8, v37;
	v62 =	vld.idx.msk [tilespmem:v18+s16+$0x0], $0xffff  }
0x98: {  	v59 =	vor.u32 v53, v8;
	v16 =	vadd.s32 s24, v61;
	v45 =	vld.idx.msk [tilespmem:v25+s16+$0x0], $0xffff;
	[tilespmem:$0x1FF50] =	vst v2;
	v25 =	vor.u32 v2, v43  }
0x99: {  	v60 =	vor.u32 v53, v23;
	v48 =	vor.u32 v59, v43;
	v46 =	vand.u32 $0x3F, v16;
	v47 =	vld.idx.msk [tilespmem:v19+s16+$0x0], $0xffff;
	[tilespmem:$0x1FF60] =	vst v59  }
0x9a: {  	v50 =	vor.u32 v12, v46;
	v19 =	vld.idx.msk [tilespmem:v36+s12+$0x0], $0xffff;
	[tilespmem:$0x1FF70] =	vst v60  }
0x9b: {  	s26 =	simm.s32 $0x6;
	v4 =	vor.u32 v53, v10;
	v51 =	vor.u32 v60, v43;
	v36 =	vld.idx.msk [tilespmem:v44+s12+$0x0], $0xffff  }
0x9c: {  	v3 =	vadd.s32 s26, v61;
	v63 =	vor.u32 v53, v11;
	v55 =	vor.u32 v9, v46;
	v52 =	vld.idx.msk [tilespmem:v17+s16+$0x0], $0xffff;
	[tilespmem:$0x1FF80] =	vst v4  }
0x9d: {  	v5 =	vor.u32 v11, v27;
	v54 =	vmul.f32 v24, v31;
	v57 =	vor.u32 v10, v46;
	v56 =	vld.idx.msk [tilespmem:v25+s16+$0x0], $0xffff  }
0x9e: {  	v26 =	vor.u32 v12, v26;
	v1 =	vand.u32 $0x3F, v3;
	v44 =	vor.u32 v4, v43;
	v48 =	vld.idx.msk [tilespmem:v48+s16+$0x0], $0xffff;
	[tilespmem:$0x1FF90] =	vst v63  }
0x9f: {  	v39 =	vmul.f32 v39, v31;
	v58 =	vor.u32 v11, v1;
	v59 =	vor.u32 v63, v43;
	v63 =	vld.idx.msk [tilespmem:v50+s16+$0x0], $0xffff  }
0xa0: {  	v13 =	vor.u32 v23, v46;
	v14 =	vor.u32 v8, v46;
	v50 =	vor.u32 v10, v27;
	v51 =	vld.idx.msk [tilespmem:v51+s16+$0x0], $0xffff  }
0xa1: {  	v46 =	vor.u32 v11, v46;
	v43 =	vmul.f32 v41, v34;
	v27 =	vld.idx.msk [tilespmem:v55+s12+$0x0], $0xffff;
	v55 =	vor.u32 v23, v37  }
0xa2: {  	s31 =	simm.s32 $0x7;
	v4 =	vor.u32 v9, v1;
	v41 =	vmul.f32 v30, v31;
	v30 =	vmul.f32 v45, v31;
	v57 =	vld.idx.msk [tilespmem:v57+s16+$0x0], $0xffff  }
0xa3: {  	v49 =	vmul.f32 v49, v19;
	v60 =	vld.idx.msk [tilespmem:v44+s16+$0x0], $0xffff;
	v44 =	vmul.f32 v47, v31;
	v31 =	vadd.s32 s31, v61  }
0xa4: {  	v3 =	vld.idx.msk [tilespmem:v5+s16+$0x0], $0xffff;
	v47 =	vmul.f32 v33, v34;
	v33 =	vmul.f32 v38, v34;
	v38 =	vor.u32 v10, v1  }
0xa5: {  	v31 =	vand.u32 $0x3F, v31;
	v56 =	vmul.f32 v56, v36;
	v61 =	vmul.f32 v48, v36;
	v45 =	vld.idx.msk [tilespmem:v50+s16+$0x0], $0xffff  }
0xa6: {  	v48 =	vmul.f32 v32, v34;
	v5 =	vmul.f32 v51, v36;
	v51 =	vor.u32 v23, v31;
	v6 =	vld.idx.msk [tilespmem:v55+s16+$0x0], $0xffff  }
0xa7: {  	v29 =	vadd.f32 v56, v29;
	v56 =	vld.idx.msk [tilespmem:v26+s16+$0x0], $0xffff;
	v2 =	vadd.f32 v61, v28;
	v28 =	vor.u32 v9, v31  }
0xa8: {  	v32 =	vmul.f32 v40, v22;
	v57 =	vmul.f32 v57, v27;
	v55 =	vor.u32 v11, v37;
	v26 =	vld.idx.msk [tilespmem:v4+s12+$0x0], $0xffff  }
0xa9: {  	v4 =	vld.idx.msk [tilespmem:v58+s16+$0x0], $0xffff;
	v53 =	vmul.f32 v60, v36;
	v21 =	vadd.f32 v5, v21;
	v5 =	vor.u32 v12, v31  }
0xaa: {  	v58 =	vld.idx.msk [tilespmem:v46+s16+$0x0], $0xffff;
	v29 =	vadd.f32 v39, v29;
	v61 =	vadd.f32 v54, v2;
	v54 =	vor.u32 v8, v31  }
0xab: {  	v39 =	vor.u32 v12, v1;
	v2 =	vor.u32 v10, v31;
	v50 =	vadd.f32 v53, v0;
	v51 =	vld.idx.msk [tilespmem:v51+s16+$0x0], $0xffff  }
0xac: {  	v34 =	vmul.f32 v56, v34;
	v28 =	vld.idx.msk [tilespmem:v28+s12+$0x0], $0xffff;
	[tilespmem:$0x1FFA0] =	vst v57;
	v56 =	vor.u32 v8, v1  }
0xad: {  	v60 =	vadd.f32 v41, v21;
	v53 =	vmul.f32 v42, v22;
	v42 =	vmul.f32 v35, v22;
	v59 =	vld.idx.msk [tilespmem:v59+s16+$0x0], $0xffff  }
0xae: {  	v41 =	vor.u32 v23, v1;
	v35 =	vmul.f32 v3, v22;
	v17 =	vmul.f32 v4, v26;
	v40 =	vld.idx.msk [tilespmem:v5+s16+$0x0], $0xffff  }
0xaf: {  	v46 =	vadd.f32 v34, v29;
	v29 =	vmul.f32 v52, v19;
	v34 =	vmul.f32 v63, v27;
	v57 =	vld.idx.msk [tilespmem:v54+s16+$0x0], $0xffff  }
0xb0: {  	s26 =	simm.s32 $0x8;
	v54 =	vor.u32 v11, v31;
	v52 =	vmul.f32 v6, v19;
	v31 =	vmul.f32 v62, v19;
	v37 =	vld.idx.msk [tilespmem:v2+s16+$0x0], $0xffff  }
.LBB2_8:
0xb1: {  	v3 =	vld.idx.msk [tilespmem:v56+s16+$0x0], $0xffff  }
0xb2: {  	v2 =	vmul.f32 v45, v22;
	v22 =	vld.idx.msk [tilespmem:v39+s16+$0x0], $0xffff  }
0xb3: {  	s2 =	sadd.s32 $0x1, s26;
	s24 =	sadd.s32 $0x2, s26;
	v7 =	vlaneseq.u32;
	v38 =	vld.idx.msk [tilespmem:v38+s16+$0x0], $0xffff;
	v50 =	vadd.f32 v44, v50  }
0xb4: {  	s11 =	sadd.s32 $0x3, s26;
	v55 =	vld.idx.msk [tilespmem:v55+s16+$0x0], $0xffff;
	v1 =	vadd.f32 v43, v61;
	v4 =	vadd.s32 s2, v7;
	v5 =	vadd.s32 s24, v7  }
0xb5: {  	v41 =	vld.idx.msk [tilespmem:v41+s16+$0x0], $0xffff;
	v0 =	vadd.s32 s11, v7;
	v4 =	vand.u32 $0x3F, v4;
	v50 =	vadd.f32 v47, v50  }
0xb6: {  	v6 =	vadd.f32 v48, v60;
	v60 =	vld.idx.msk [tilespmem:v54+s16+$0x0], $0xffff;
	v39 =	vand.u32 $0x3F, v0;
	v43 =	vor.u32 v23, v4  }
0xb7: {  	v5 =	vand.u32 $0x3F, v5;
	v1 =	vadd.f32 v53, v1;
	v53 =	vor.u32 v8, v4;
	v24 =	vld.idx.msk [tilespmem:v14+s16+$0x0], $0xffff  }
0xb8: {  	v61 =	vor.u32 v9, v5;
	v63 =	vor.u32 v23, v39;
	v25 =	vld.idx.msk [tilespmem:v13+s16+$0x0], $0xffff  }
0xb9: {  	v2 =	vadd.f32 v2, v50;
	v44 =	vmul.f32 v3, v26;
	v50 =	vmovc v17;
	v17 =	vmul.f32 v38, v26  }
0xba: {  	v15 =	vor.u32 v11, v5;
	v38 =	vmul.f32 v22, v26;
	v26 =	vmul.f32 v41, v26;
	v41 =	vld [tilespmem:$0x1FF40]  }
0xbb: {  	v16 =	vor.u32 v9, v39;
	v48 =	vld.idx.msk [tilespmem:v43+s16+$0x0], $0xffff  }
0xbc: {  	v62 =	vor.u32 v11, v39;
	v53 =	vld.idx.msk [tilespmem:v53+s16+$0x0], $0xffff  }
0xbd: {  	v56 =	vmul.f32 v51, v28;
	v51 =	vor.u32 v9, v4;
	v14 =	vmul.f32 v40, v28;
	v40 =	vld.idx.msk [tilespmem:v61+s12+$0x0], $0xffff  }
0xbe: {  	v0 =	vmul.f32 v57, v28;
	v57 =	vor.u32 v23, v5;
	v63 =	vld.idx.msk [tilespmem:v63+s16+$0x0], $0xffff  }
0xbf: {  	v32 =	vadd.f32 v32, v46;
	v13 =	vor.u32 v10, v5;
	v46 =	vld.idx.msk [tilespmem:v15+s16+$0x0], $0xffff  }
0xc0: {  	v45 =	vmul.f32 v58, v27;
	v36 =	vmul.f32 v59, v36;
	v58 =	vor.u32 v12, v4;
	v22 =	vld.idx.msk [tilespmem:v16+s12+$0x0], $0xffff  }
0xc1: {  	v59 =	vor.u32 v8, v5;
	v1 =	vadd.f32 v29, v1;
	v29 =	vmul.f32 v37, v28;
	v37 =	vld.idx.msk [tilespmem:v62+s16+$0x0], $0xffff  }
0xc2: {  	v6 =	vadd.f32 v42, v6;
	v47 =	vld.idx.msk [tilespmem:v51+s12+$0x0], $0xffff  }
0xc3: {  	v61 =	vor.u32 v8, v39;
	v54 =	vld.idx.msk [tilespmem:v57+s16+$0x0], $0xffff  }
0xc4: {  	s18 =	smov.u32 s26;
	v55 =	vmul.f32 v55, v19;
	v6 =	vadd.f32 v52, v6;
	v51 =	vld.idx.msk [tilespmem:v13+s16+$0x0], $0xffff  }
0xc5: {  	s2 =	sadd.s32 $0x4, s18;
	v20 =	vadd.f32 v36, v20;
	v43 =	vor.u32 v10, v4;
	v4 =	vor.u32 v11, v4;
	v19 =	vld.idx.msk [tilespmem:v58+s16+$0x0], $0xffff  }
0xc6: {  	v42 =	vmul.f32 v25, v27;
	v27 =	vmul.f32 v24, v27;
	v24 =	vadd.s32 s2, v7;
	v52 =	vld.idx.msk [tilespmem:v59+s16+$0x0], $0xffff  }
0xc7: {  	v3 =	vadd.s32 s18, v7;
	v57 =	vor.u32 v12, v39;
	v13 =	vand.u32 $0x3F, v24;
	v24 =	vld [tilespmem:$0x1FF80]  }
0xc8: {  	s11 =	sadd.s32 $0x5, s18;
	v20 =	vadd.f32 v30, v20;
	v30 =	vand.u32 $0x38, v3;
	v59 =	vld.idx.msk [tilespmem:v61+s16+$0x0], $0xffff  }
0xc9: {  	v25 =	vadd.s32 s11, v7;
	v61 =	vor.u32 v41, v30;
	v41 =	vld [tilespmem:$0x1FF90]  }
0xca: {  	v32 =	vadd.f32 v49, v32;
	[tilespmem:$0x1FEE0] =	vst v0;
	v18 =	vand.u32 $0x3F, v25;
	v16 =	vor.u32 v10, v13;
	v4 =	vld.idx.msk [tilespmem:v4+s16+$0x0], $0xffff  }
0xcb: {  	v20 =	vadd.f32 v33, v20;
	v0 =	vor.u32 v8, v13;
	v58 =	vor.u32 v8, v18;
	v25 =	vld.idx.msk [tilespmem:v43+s16+$0x0], $0xffff  }
0xcc: {  	v49 =	vor.u32 v9, v18;
	v6 =	vadd.f32 v42, v6;
	[tilespmem:$0x1FF00] =	vst v58;
	v57 =	vld.idx.msk [tilespmem:v57+s16+$0x0], $0xffff  }
0xcd: {  	[tilespmem:$0x1FEF0] =	vst v46;
	v46 =	vor.u32 v23, v18;
	v33 =	vor.u32 v24, v30;
	v24 =	vmul.f32 v19, v47;
	v19 =	vld [tilespmem:$0x1FF50]  }
0xce: {  	s24 =	sadd.s32 $0x6, s18;
	v36 =	vor.u32 v10, v18;
	v58 =	vor.u32 v12, v18;
	v53 =	vmul.f32 v53, v47;
	[tilespmem:$0x1FF20] =	vst v46;
	v46 =	vld [tilespmem:$0x1FF70]  }
0xcf: {  	v6 =	vadd.f32 v26, v6;
	v26 =	vadd.s32 s24, v7;
	v18 =	vor.u32 v11, v18;
	v16 =	vld.idx.msk [tilespmem:v16+s16+$0x0], $0xffff  }
0xd0: {  	v26 =	vand.u32 $0x3F, v26;
	[tilespmem:$0x1FF10] =	vst v53;
	v53 =	vor.u32 v12, v13;
	v0 =	vld.idx.msk [tilespmem:v0+s16+$0x0], $0xffff  }
0xd1: {  	v1 =	vadd.f32 v27, v1;
	v27 =	vld.idx.msk [tilespmem:v49+s12+$0x0], $0xffff;
	v49 =	vor.u32 v11, v26  }
0xd2: {  	v32 =	vadd.f32 v34, v32;
	v15 =	vor.u32 v9, v13;
	v34 =	vor.u32 v19, v30;
	v19 =	vld [tilespmem:$0x1FF60]  }
0xd3: {  	v20 =	vadd.f32 v35, v20;
	v62 =	vor.u32 v9, v26;
	v35 =	vld.idx.msk [tilespmem:v58+s16+$0x0], $0xffff  }
0xd4: {  	v58 =	vld.idx.msk [tilespmem:v18+s16+$0x0], $0xffff  }
0xd5: {  	v20 =	vadd.f32 v55, v20;
	v21 =	vor.u32 v46, v30;
	v46 =	vld.idx.msk [tilespmem:v53+s16+$0x0], $0xffff;
	v53 =	vor.u32 v10, v39  }
0xd6: {  	v6 =	vadd.f32 v56, v6;
	v56 =	vor.u32 v8, v26;
	v3 =	vor.u32 v41, v30;
	v49 =	vld.idx.msk [tilespmem:v49+s16+$0x0], $0xffff  }
0xd7: {  	v41 =	vor.u32 v23, v26;
	v39 =	vor.u32 v12, v26;
	v30 =	vor.u32 v19, v30;
	v19 =	vld.idx.msk [tilespmem:v15+s12+$0x0], $0xffff  }
0xd8: {  	v15 =	vmul.f32 v60, v28;
	v28 =	vadd.f32 v38, v32;
	v38 =	vor.u32 v10, v26;
	v26 =	vld.idx.msk [tilespmem:v62+s12+$0x0], $0xffff  }
0xd9: {  	v34 =	vld.idx.msk [tilespmem:v34+s16+$0x0], $0xffff  }
0xda: {  	s31 =	sadd.s32 $0x7, s18;
	v2 =	vadd.f32 v31, v2;
	v31 =	vor.u32 v23, v13;
	v20 =	vadd.f32 v45, v20;
	v45 =	vld.idx.msk [tilespmem:v53+s16+$0x0], $0xffff  }
0xdb: {  	v53 =	vmul.f32 v59, v22;
	v59 =	vadd.s32 s31, v7;
	v7 =	vld [tilespmem:$0x1FFA0]  }
0xdc: {  	v14 =	vadd.f32 v14, v28;
	v28 =	vld.idx.msk [tilespmem:v36+s16+$0x0], $0xffff  }
0xdd: {  	v5 =	vor.u32 v12, v5;
	v20 =	vadd.f32 v50, v20;
	v36 =	vld.idx.msk [tilespmem:v61+s12+$0x0], $0xffff  }
0xde: {  	v1 =	vadd.f32 v44, v1;
	v42 =	vmul.f32 v63, v22;
	v43 =	vmul.f32 v52, v40;
	v61 =	vld.idx.msk [tilespmem:v33+s16+$0x0], $0xffff  }
0xdf: {  	v55 =	vor.u32 v11, v13;
	v52 =	vand.u32 $0x3F, v59;
	v20 =	vadd.f32 v15, v20;
	v15 =	vld.idx.msk [tilespmem:v31+s16+$0x0], $0xffff  }
0xe0: {  	v32 =	vmul.f32 v57, v22;
	v57 =	vor.u32 v23, v52;
	v2 =	vadd.f32 v7, v2;
	v7 =	vld [tilespmem:$0x1FEE0]  }
0xe1: {  	v44 =	vmul.f32 v25, v47;
	v60 =	vmul.f32 v48, v47;
	v25 =	vor.u32 v10, v52;
	v13 =	vld.idx.msk [tilespmem:v30+s16+$0x0], $0xffff  }
0xe2: {  	v59 =	vld.idx.msk [tilespmem:v3+s16+$0x0], $0xffff;
	v30 =	vmul.f32 v4, v47;
	v34 =	vmul.f32 v34, v36  }
0xe3: {  	v47 =	vmul.f32 v51, v40;
	v63 =	vmul.f32 v61, v36;
	v2 =	vadd.f32 v17, v2;
	v17 =	vld.idx.msk [tilespmem:v21+s16+$0x0], $0xffff  }
0xe4: {  	v4 =	vld.idx.msk [tilespmem:v5+s16+$0x0], $0xffff;
	v21 =	vor.u32 v9, v52;
	v5 =	vadd.f32 v34, v14;
	v34 =	vmul.f32 v35, v27  }
0xe5: {  	v51 =	vld.idx.msk [tilespmem:v57+s16+$0x0], $0xffff;
	v35 =	vmul.f32 v37, v22;
	v1 =	vadd.f32 v7, v1;
	v7 =	vmul.f32 v28, v27  }
0xe6: {  	v37 =	vld.idx.msk [tilespmem:v25+s16+$0x0], $0xffff;
	v2 =	vadd.f32 v29, v2;
	v50 =	vmul.f32 v13, v36;
	v13 =	vor.u32 v8, v52  }
0xe7: {  	v62 =	vor.u32 v12, v52;
	v29 =	vmul.f32 v0, v19;
	[tilespmem:$0x1FFA0] =	vst v7;
	v7 =	vld [tilespmem:$0x1FEF0]  }
0xe8: {  	p0 =	slt.u32 s26, $0x38;
	v14 =	vmul.f32 v17, v36;
	v0 =	vadd.f32 v50, v1;
	v50 =	vadd.f32 v63, v2;
	v63 =	vld [tilespmem:$0x1FF10]  }
.Ltmp4:
0xe9: {  	v48 =	vmul.f32 v54, v40;
	v28 =	vld.idx.msk [tilespmem:v21+s12+$0x0], $0xffff;
	(pc) =	sbr.rel @p0 .LBB2_8-.Ltmp4, $4  }
0xea: {  	v17 =	vmul.f32 v49, v26;
	v49 =	vmul.f32 v46, v19;
	v46 =	vadd.f32 v14, v6;
	v14 =	vld [tilespmem:$0x1FF00]  }
0xeb: {  	v54 =	vor.u32 v11, v52;
	v4 =	vmul.f32 v4, v40;
	v5 =	vadd.f32 v24, v5;
	v57 =	vld.idx.msk [tilespmem:v13+s16+$0x0], $0xffff  }
0xec: {  	v31 =	vmul.f32 v16, v19;
	v52 =	vmul.f32 v15, v19;
	v13 =	vld [tilespmem:$0x1FF20];
	v60 =	vadd.f32 v60, v46  }
0xed: {  	s26 =	sadd.s32 $0x8, s26;
	v46 =	vadd.f32 v4, v5;
	v33 =	vmul.f32 v7, v40;
	v40 =	vld.idx.msk [tilespmem:v62+s16+$0x0], $0xffff;
	v61 =	vadd.f32 v63, v0  }
0xee: {  	_ =	sdelay $0x2  }
0xef: {  	v0 =	vmul.f32 v59, v36  }
0xf0: {  	v5 =	vld.idx.msk [tilespmem:v55+s16+$0x0], $0xffff  }
0xf1: {  	v4 =	vadd.f32 v48, v60;
	v10 =	vld.idx.msk [tilespmem:v41+s16+$0x0], $0xffff;
	v0 =	vadd.f32 v0, v20  }
0xf2: {  	v9 =	vadd.f32 v44, v50;
	v11 =	vld.idx.msk [tilespmem:v39+s16+$0x0], $0xffff;
	v1 =	vadd.f32 v43, v61  }
0xf3: {  	v3 =	vmul.f32 v45, v22;
	v44 =	vld [tilespmem:$0x1FFA0];
	v4 =	vadd.f32 v42, v4;
	v0 =	vadd.f32 v30, v0  }
0xf4: {  	v6 =	vmul.f32 v58, v27;
	v9 =	vadd.f32 v47, v9;
	v2 =	vld.idx.msk [tilespmem:v13+s16+$0x0], $0xffff;
	v1 =	vadd.f32 v53, v1  }
0xf5: {  	v8 =	vmul.f32 v51, v28;
	v14 =	vld.idx.msk [tilespmem:v14+s16+$0x0], $0xffff;
	v13 =	vadd.f32 v32, v46;
	v0 =	vadd.f32 v33, v0  }
0xf6: {  	v7 =	vld.idx.msk [tilespmem:v56+s16+$0x0], $0xffff;
	v12 =	vmul.f32 v57, v28;
	v4 =	vadd.f32 v52, v4;
	v3 =	vadd.f32 v3, v9  }
0xf7: {  	v15 =	vld.idx.msk [tilespmem:v38+s16+$0x0], $0xffff;
	v5 =	vmul.f32 v5, v19;
	v13 =	vadd.f32 v49, v13;
	v0 =	vadd.f32 v35, v0  }
0xf8: {  	v16 =	vld.idx.msk [tilespmem:v54+s16+$0x0], $0xffff;
	v41 =	vmul.f32 v10, v26;
	v42 =	vmul.f32 v11, v26;
	v3 =	vadd.f32 v31, v3  }
0xf9: {  	v1 =	vadd.f32 v29, v1;
	v2 =	vmul.f32 v2, v27;
	v0 =	vadd.f32 v5, v0  }
0xfa: {  	v10 =	vmul.f32 v14, v27;
	v9 =	vadd.f32 v34, v13;
	v3 =	vadd.f32 v44, v3  }
0xfb: {  	v7 =	vmul.f32 v7, v26;
	v2 =	vadd.f32 v2, v4;
	v0 =	vadd.f32 v6, v0  }
0xfc: {  	v43 =	vmul.f32 v15, v26;
	v1 =	vadd.f32 v10, v1;
	v5 =	vadd.f32 v42, v9  }
0xfd: {  	v45 =	vmul.f32 v16, v28;
	v2 =	vadd.f32 v41, v2;
	v0 =	vadd.f32 v17, v0  }
0xfe: {  	v9 =	vmul.f32 v37, v28;
	v3 =	vadd.f32 v43, v3;
	v1 =	vadd.f32 v7, v1  }
0xff: {  	v46 =	vmul.f32 v40, v28;
	v2 =	vadd.f32 v8, v2;
	v0 =	vadd.f32 v45, v0  }
0x100: {  	v3 =	vadd.f32 v9, v3  }
0x101: {  	v4 =	vadd.f32 v46, v5;
	v1 =	vadd.f32 v12, v1;
	v47 =	vmax.f32 v2, v0  }
0x102: {  	v5 =	vmax.f32 v47, v3  }
0x103: {  	v4 =	vnsel vm0, $0xF149F2CA, v4;
	v5 =	vmax.f32 v5, v1  }
0x104: {  	v5 =	vmax.f32 v5, v4  }
0x105: {  	(xrf0) =	vmax.scan.msk.f32 $0xffff, v5;
	_ =	sdelay $0x5  }
0x106: {  	v5, _, _ =	vpop (xrf0)  }
0x107: {  	v5 =	vbroadcast v5, $0xF;
	_ =	sdelay $0x1  }
0x108: {  	v2 =	vsub.f32 v2, v5  }
0x109: {  	v0 =	vsub.f32 v0, v5  }
0x10a: {  	v2 =	vmul.f32 $1.442695020e+00, v2  }
0x10b: {  	v3 =	vsub.f32 v3, v5;
	v0 =	vmul.f32 $1.442695020e+00, v0  }
0x10c: {  	(erf) = vpow2.f32 v2  }
0x10d: {  	v1 =	vsub.f32 v1, v5;
	v48 =	vmul.f32 $1.442695020e+00, v3;
	(erf) = vpow2.f32 v0  }
0x10e: {  	v49 =	vsub.f32 v4, v5  }
0x10f: {  	v50 =	vmul.f32 $1.442695020e+00, v1;
	(erf) = vpow2.f32 v48  }
0x110: {  	v51 =	vmul.f32 $1.442695020e+00, v49  }
0x111: {  	(erf) = vpow2.f32 v50  }
0x112: {  	(erf) = vpow2.f32 v51;
	_ =	sdelay $0x2  }
0x113: {  	v52 =	vpop (erf)  }
0x114: {  	v53 =	vpop (erf)  }
0x115: {  	v54 =	vadd.f32 v53, v52  }
0x116: {  	v55 =	vpop (erf)  }
0x117: {  	v2 =	vadd.f32 v54, v55  }
0x118: {  	v56 =	vpop (erf)  }
0x119: {  	v57 =	vpop (erf);
	v2 =	vadd.f32 v2, v56  }
0x11a: {  	v5 =	vnsel vm0, $0x0, v57  }
0x11b: {  	v2 =	vadd.f32 v2, v5;
	_ =	sdelay $0x1  }
0x11c: {  	(xrf2) =	vadd.scan.msk.f32 $0xffff, v2;
	_ =	sdelay $0x9  }
0x11d: {  	v2, _, _ =	vpop (xrf2)  }
0x11e: {  	v2 =	vbroadcast v2, $0xF;
	_ =	sdelay $0x1  }
0x11f: {  	v58 =	vld [tilespmem:$0x1FF30];
	(erf) = vrcp.f32 v2;
	_ =	sdelay $0x2  }
0x120: {  	v11 =	vld [tilespmem:$0x1FFD0]  }
0x121: {  	v12 =	vld [tilespmem:$0x1FFE0]  }
0x122: {  	v13 =	vld [tilespmem:$0x1FFF0];
	v2 =	vmul.u32 $0x48, v58  }
0x123: {  	v59 =	vlaneseq.u32  }
0x124: {  	v6 =	vadd.s32 v59, v2  }
0x125: {  	v60 =	vadd.s32 v11, v2  }
0x126: {  	v9 =	vadd.s32 v12, v2;
	v8 =	vpop (erf)  }
0x127: {  	s22 =	sadd.s32 $0x1, s22;
	v10 =	vadd.s32 v13, v2;
	v0 =	vmul.f32 v8, v52  }
0x128: {  	p0 =	sne.s32 s22, $0x8;
	v2 =	vadd.s32 $0x40, v2;
	v1 =	vmul.f32 v8, v53  }
.Ltmp5:
0x129: {  	v61 =	vmul.f32 v8, v55;
	[tilespmem:v6+s7+$0x0] =	vst.idx.msk $0xffff, v0;
	(pc) =	sbr.rel @p0 .LBB2_7-.Ltmp5, $4  }
0x12a: {  	v62 =	vmul.f32 v8, v56;
	[tilespmem:v60+s7+$0x0] =	vst.idx.msk $0xffff, v1  }
0x12b: {  	v63 =	vmul.f32 v8, v5;
	[tilespmem:v9+s7+$0x0] =	vst.idx.msk $0xffff, v61  }
0x12c: {  	[tilespmem:v10+s7+$0x0] =	vst.idx.msk $0xffff, v62  }
0x12d: {  	v53 =	vld [tilespmem:$0x1FFC0];
	v61 =	vlaneseq.u32;
	[tilespmem:v2+s7+$0x0] =	vst.idx.msk $0x1, v63  }
0x12e: {  	p0 =	seq.s32 s10, $0x7  }
0x12f: {  	s2 =	smul.u32 @!p0 $0x1040, s10;
	_ =	sdelay $0x1  }
0x130: {  	s2 =	sshra.s32 @!p0 s2, $0x2  }
0x131: {  	s18 =	simm.s32 @!p0 $0x68;
	s22 =	simm.s32 @!p0 $0x6180;
	s11 =	sadd.s32 @!p0 $0x2510, s2  }
0x132: {  	[tilespmem:s22], [sflag:$0x2] =	stream.indirect.gather @!p0 [hbm4b:s4+s18], $0x40, s11, s18, $0xb8;
	[tilespmem:$0x18D90] =	vst v63  }
0x133: {  	s22 =	simm.s32 @!p0 $0x16580  }
0x134: {  	[tilespmem:s22], [sflag:$0x4] =	stream.indirect.gather @!p0 [hbm4b:s5+s18], $0x1, s11, s18, $0xb8;
	[tilespmem:$0x18D90] =	vst v63  }
0x135: {  	s11 =	sadd.s32 @!p0 $0x2578, s2;
	s22 =	simm.s32 @!p0 $0x7B80  }
0x136: {  	[tilespmem:s22], [sflag:$0x2] =	stream.indirect.gather @!p0 [hbm4b:s4+s18], $0x40, s11, s18, $0xb8;
	[tilespmem:$0x18D90] =	vst v63  }
0x137: {  	s22 =	simm.s32 @!p0 $0x165E8  }
0x138: {  	[tilespmem:s22], [sflag:$0x4] =	stream.indirect.gather @!p0 [hbm4b:s5+s18], $0x1, s11, s18, $0xb8;
	[tilespmem:$0x18D90] =	vst v63  }
0x139: {  	s11 =	sadd.s32 @!p0 $0x25E0, s2;
	s22 =	simm.s32 @!p0 $0x9580  }
0x13a: {  	[tilespmem:s22], [sflag:$0x2] =	stream.indirect.gather @!p0 [hbm4b:s4+s18], $0x40, s11, s18, $0xb8;
	[tilespmem:$0x18D90] =	vst v63  }
0x13b: {  	s22 =	simm.s32 @!p0 $0x16650  }
0x13c: {  	[tilespmem:s22], [sflag:$0x4] =	stream.indirect.gather @!p0 [hbm4b:s5+s18], $0x1, s11, s18, $0xb8;
	[tilespmem:$0x18D90] =	vst v63  }
0x13d: {  	s11 =	sadd.s32 @!p0 $0x2648, s2;
	s22 =	simm.s32 @!p0 $0xAF80  }
0x13e: {  	[tilespmem:s22], [sflag:$0x2] =	stream.indirect.gather @!p0 [hbm4b:s4+s18], $0x40, s11, s18, $0xb8;
	[tilespmem:$0x18D90] =	vst v63  }
0x13f: {  	s22 =	simm.s32 @!p0 $0x166B8  }
0x140: {  	[tilespmem:s22], [sflag:$0x4] =	stream.indirect.gather @!p0 [hbm4b:s5+s18], $0x1, s11, s18, $0xb8;
	[tilespmem:$0x18D90] =	vst v63  }
0x141: {  	s2 =	sadd.s32 @!p0 $0x26B0, s2;
	s11 =	simm.s32 @!p0 $0xC980  }
0x142: {  	[tilespmem:s11], [sflag:$0x2] =	stream.indirect.gather @!p0 [hbm4b:s4+s18], $0x40, s2, s18, $0xb8;
	[tilespmem:$0x18D90] =	vst v63  }
0x143: {  	s11 =	simm.s32 @!p0 $0x16720  }
0x144: {  	[tilespmem:s11], [sflag:$0x4] =	stream.indirect.gather @!p0 [hbm4b:s5+s18], $0x1, s2, s18, $0xb8;
	[tilespmem:$0x18D90] =	vst v63  }
0x145: {  	_ =	swait.ge [sflag:s8], $0x8200  }
0x146: {  	[sflag:s8] =	ssyncset.done $0x0  }
0x147: {  	[sflag:s8] =	ssyncadd.s32 $0xFFFF7E00  }
0x148: {  	_ =	swait.ge [sflag:s9], $0x208  }
0x149: {  	s13 =	sor.u32 $0x8, s13;
	[sflag:s9] =	ssyncset.done $0x0  }
0x14a: {  	s26 =	simm.s32 $0x0;
	s22 =	simm.s32 $0x0;
	[sflag:s9] =	ssyncadd.s32 $0xFFFFFDF8  }
.LBB2_11:
0x14b: {  	s2 =	smul.u32 $0x41, s26  }
0x14c: {  	s11 =	simm.s32 $0x1  }
0x14d: {  	s18 =	sadd.s32 s13, s26;
	s24 =	simm.s32 $0x2;
	v5 =	vadd.s32 s11, v61;
	v1 =	vadd.s32 s2, v11  }
0x14e: {  	v6 =	vmov s18;
	v10 =	vadd.s32 s24, v61;
	v2 =	vadd.s32 s2, v12  }
0x14f: {  	v0 =	vadd.s32 s2, v61;
	v3 =	vmov s2;
	v4 =	vadd.s32 s2, v13  }
0x150: {  	[tilespmem:$0x1FE60] =	vst v6;
	v9 =	vshll.u32 v6, $0x6;
	v6 =	vand.u32 $0x3F, v10;
	v3 =	vadd.s32 $0x40, v3  }
0x151: {  	v5 =	vand.u32 $0x3F, v5;
	v8 =	vshll.u32 v4, $0x6;
	v15 =	vor.u32 v9, v6  }
0x152: {  	s31 =	simm.s32 $0x3;
	v23 =	vshll.u32 v0, $0x6;
	v12 =	vor.u32 v8, v5;
	v20 =	vld.idx.msk [tilespmem:v1+s0+$0x0], $0xffff  }
0x153: {  	v10 =	vadd.s32 s31, v61;
	v14 =	vor.u32 v23, v6;
	v21 =	vld.idx.msk [tilespmem:v2+s0+$0x0], $0xffff  }
0x154: {  	v27 =	vand.u32 $0x3F, v10;
	v11 =	vor.u32 v23, v5;
	v4 =	vld.idx.msk [tilespmem:v4+s0+$0x0], $0xffff  }
0x155: {  	v10 =	vshll.u32 v2, $0x6;
	v16 =	vor.u32 v23, v27;
	v26 =	vld.idx.msk [tilespmem:v3+s0+$0x0], $0xffff  }
0x156: {  	v17 =	vor.u32 v10, v6;
	v29 =	vld.idx.msk [tilespmem:v15+s12+$0x0], $0xffff  }
0x157: {  	v13 =	vor.u32 v9, v5;
	v58 =	vld.idx.msk [tilespmem:v12+s1+$0x0], $0xffff  }
0x158: {  	v12 =	vshll.u32 v3, $0x6;
	v28 =	vld.idx.msk [tilespmem:v14+s1+$0x0], $0xffff;
	v14 =	vor.u32 v9, v27  }
0x159: {  	v2 =	vld.idx.msk [tilespmem:v11+s1+$0x0], $0xffff;
	v18 =	vor.u32 v12, v5  }
0x15a: {  	v31 =	vld.idx.msk [tilespmem:v16+s1+$0x0], $0xffff;
	v16 =	vor.u32 v8, v6  }
0x15b: {  	s11 =	simm.s32 $0x4;
	v11 =	vshll.u32 v1, $0x6;
	v32 =	vld.idx.msk [tilespmem:v17+s1+$0x0], $0xffff;
	v17 =	vor.u32 v8, v27  }
0x15c: {  	v19 =	vadd.s32 s11, v61;
	v3 =	vld.idx.msk [tilespmem:v13+s12+$0x0], $0xffff;
	v13 =	vor.u32 v11, v6  }
0x15d: {  	v35 =	vand.u32 $0x3F, v19;
	v15 =	vor.u32 v12, v27;
	v22 =	vld.idx.msk [tilespmem:v14+s12+$0x0], $0xffff  }
0x15e: {  	v30 =	vld.idx.msk [tilespmem:v18+s1+$0x0], $0xffff;
	v18 =	vor.u32 v12, v35  }
0x15f: {  	v19 =	vor.u32 v10, v35;
	v37 =	vld.idx.msk [tilespmem:v16+s1+$0x0], $0xffff  }
0x160: {  	v24 =	vor.u32 v11, v5;
	v40 =	vld.idx.msk [tilespmem:v17+s1+$0x0], $0xffff  }
0x161: {  	v5 =	vor.u32 v10, v5;
	v33 =	vld.idx.msk [tilespmem:v13+s1+$0x0], $0xffff  }
0x162: {  	v7 =	vor.u32 v53, v9;
	v25 =	vor.u32 v9, v35;
	v14 =	vadd.s32 s22, v61;
	v34 =	vld.idx.msk [tilespmem:v15+s1+$0x0], $0xffff  }
0x163: {  	v17 =	vor.u32 v8, v35;
	v38 =	vand.u32 $0x38, v14;
	v49 =	vld.idx.msk [tilespmem:v18+s1+$0x0], $0xffff;
	[tilespmem:$0x1FE70] =	vst v7  }
0x164: {  	s18 =	simm.s32 $0x5;
	v13 =	vor.u32 v53, v12;
	v36 =	vor.u32 v7, v38;
	v62 =	vld.idx.msk [tilespmem:v19+s1+$0x0], $0xffff  }
0x165: {  	v16 =	vadd.s32 s18, v61;
	v7 =	vor.u32 v53, v8;
	v39 =	vld.idx.msk [tilespmem:v24+s1+$0x0], $0xffff;
	[tilespmem:$0x1FE80] =	vst v13;
	v24 =	vor.u32 v13, v38  }
0x166: {  	v41 =	vand.u32 $0x3F, v16;
	v42 =	vor.u32 v7, v38;
	v5 =	vld.idx.msk [tilespmem:v5+s1+$0x0], $0xffff;
	[tilespmem:$0x1FE90] =	vst v7;
	v7 =	vor.u32 v53, v23  }
0x167: {  	v43 =	vor.u32 v12, v41;
	v19 =	vld.idx.msk [tilespmem:v25+s12+$0x0], $0xffff;
	[tilespmem:$0x1FEA0] =	vst v7  }
0x168: {  	v45 =	vor.u32 v11, v27;
	v13 =	vor.u32 v53, v10;
	v52 =	vld.idx.msk [tilespmem:v17+s1+$0x0], $0xffff  }
0x169: {  	v47 =	vor.u32 v13, v38;
	v36 =	vld.idx.msk [tilespmem:v36+s12+$0x0], $0xffff;
	[tilespmem:$0x1FEB0] =	vst v13  }
0x16a: {  	v46 =	vor.u32 v9, v41;
	v44 =	vor.u32 v7, v38;
	v7 =	vor.u32 v53, v11;
	v48 =	vld.idx.msk [tilespmem:v24+s1+$0x0], $0xffff  }
0x16b: {  	s24 =	simm.s32 $0x6;
	v6 =	vor.u32 v12, v6;
	v42 =	vld.idx.msk [tilespmem:v42+s1+$0x0], $0xffff;
	[tilespmem:$0x1FEC0] =	vst v7  }
0x16c: {  	v59 =	vadd.s32 s24, v61;
	v50 =	vor.u32 v10, v41;
	v55 =	vld.idx.msk [tilespmem:v43+s1+$0x0], $0xffff  }
0x16d: {  	v56 =	vand.u32 $0x3F, v59;
	v1 =	vmul.f32 v58, v3;
	v57 =	vld.idx.msk [tilespmem:v45+s1+$0x0], $0xffff  }
0x16e: {  	s31 =	simm.s32 $0x7;
	v58 =	vor.u32 v9, v56;
	v2 =	vmul.f32 v2, v3;
	v53 =	vor.u32 v10, v27;
	v47 =	vld.idx.msk [tilespmem:v47+s1+$0x0], $0xffff  }
0x16f: {  	v61 =	vadd.s32 s31, v61;
	v14 =	vor.u32 v8, v41;
	v51 =	vmul.f32 v30, v3;
	v27 =	vld.idx.msk [tilespmem:v46+s12+$0x0], $0xffff  }
0x170: {  	v33 =	vmul.f32 v33, v29;
	v13 =	vor.u32 v23, v41;
	v54 =	vor.u32 v7, v38;
	v6 =	vld.idx.msk [tilespmem:v6+s1+$0x0], $0xffff  }
0x171: {  	v41 =	vor.u32 v11, v41;
	v43 =	vmul.f32 v37, v29;
	v37 =	vor.u32 v11, v56;
	v59 =	vld.idx.msk [tilespmem:v50+s1+$0x0], $0xffff  }
0x172: {  	v30 =	vmul.f32 v39, v3;
	v39 =	vor.u32 v12, v56;
	v38 =	vld.idx.msk [tilespmem:v44+s1+$0x0], $0xffff;
	v60 =	vmul.f32 v48, v36  }
0x173: {  	v44 =	vmul.f32 v5, v3;
	v3 =	vand.u32 $0x3F, v61;
	v45 =	vld.idx.msk [tilespmem:v53+s1+$0x0], $0xffff;
	v53 =	vmul.f32 v40, v22  }
0x174: {  	v49 =	vmul.f32 v49, v19;
	v46 =	vor.u32 v9, v3;
	v5 =	vadd.f32 v60, v26  }
0x175: {  	v0 =	vld.idx.msk [tilespmem:v0+s0+$0x0], $0xffff;
	v63 =	vmul.f32 v42, v36;
	v42 =	vor.u32 v23, v35;
	v48 =	vmul.f32 v28, v29  }
0x176: {  	v28 =	vmul.f32 v47, v36;
	v37 =	vld.idx.msk [tilespmem:v37+s1+$0x0], $0xffff;
	v5 =	vadd.f32 v51, v5;
	v51 =	vor.u32 v23, v3  }
0x177: {  	v47 =	vmul.f32 v32, v29;
	v7 =	vmul.f32 v6, v29;
	v4 =	vadd.f32 v63, v4;
	v26 =	vld.idx.msk [tilespmem:v58+s12+$0x0], $0xffff  }
0x178: {  	v32 =	vmul.f32 v34, v22;
	v59 =	vmul.f32 v59, v27;
	v63 =	vor.u32 v12, v3;
	v58 =	vld.idx.msk [tilespmem:v41+s1+$0x0], $0xffff  }
0x179: {  	v50 =	vadd.f32 v28, v21;
	v28 =	vld.idx.msk [tilespmem:v46+s12+$0x0], $0xffff;
	v61 =	vadd.f32 v1, v4;
	v1 =	vor.u32 v8, v3  }
0x17a: {  	v29 =	vmul.f32 v52, v19;
	v38 =	vmul.f32 v38, v36;
	v4 =	vor.u32 v10, v3;
	v6 =	vld.idx.msk [tilespmem:v42+s1+$0x0], $0xffff  }
0x17b: {  	v34 =	vmul.f32 v55, v27;
	v55 =	vor.u32 v11, v35;
	v51 =	vld.idx.msk [tilespmem:v51+s1+$0x0], $0xffff;
	[tilespmem:$0x1FED0] =	vst v59  }
0x17c: {  	v35 =	vmul.f32 v57, v22;
	v41 =	vor.u32 v23, v56;
	v0 =	vadd.f32 v38, v0;
	v59 =	vld.idx.msk [tilespmem:v54+s1+$0x0], $0xffff  }
0x17d: {  	v38 =	vor.u32 v10, v56;
	v56 =	vor.u32 v8, v56;
	v42 =	vmul.f32 v31, v22;
	v40 =	vld.idx.msk [tilespmem:v63+s1+$0x0], $0xffff  }
0x17e: {  	v31 =	vmul.f32 v62, v19;
	v60 =	vadd.f32 v2, v0;
	v46 =	vadd.f32 v7, v5;
	v57 =	vld.idx.msk [tilespmem:v1+s1+$0x0], $0xffff  }
0x17f: {  	s18 =	simm.s32 $0x8;
	v17 =	vmul.f32 v37, v26;
	v54 =	vor.u32 v11, v3;
	v52 =	vmul.f32 v6, v19;
	v37 =	vld.idx.msk [tilespmem:v4+s1+$0x0], $0xffff  }
.LBB2_12:
0x180: {  	_ =	sdelay $0x1  }
0x181: {  	s2 =	sadd.s32 $0x1, s18;
	v2 =	vld.idx.msk [tilespmem:v56+s1+$0x0], $0xffff;
	v7 =	vlaneseq.u32  }
0x182: {  	s11 =	sadd.s32 $0x2, s18;
	v6 =	vld.idx.msk [tilespmem:v39+s1+$0x0], $0xffff;
	v0 =	vadd.f32 v43, v61;
	v3 =	vadd.s32 s2, v7  }
0x183: {  	v41 =	vld.idx.msk [tilespmem:v41+s1+$0x0], $0xffff;
	v4 =	vadd.s32 s11, v7;
	v3 =	vand.u32 $0x3F, v3  }
0x184: {  	v4 =	vand.u32 $0x3F, v4;
	v39 =	vor.u32 v23, v3;
	v0 =	vadd.f32 v53, v0;
	v53 =	vld.idx.msk [tilespmem:v55+s1+$0x0], $0xffff  }
0x185: {  	s31 =	sadd.s32 $0x3, s18;
	v5 =	vadd.f32 v48, v60;
	v60 =	vor.u32 v9, v4;
	v24 =	vld.idx.msk [tilespmem:v14+s1+$0x0], $0xffff  }
0x186: {  	v56 =	vor.u32 v12, v3;
	v1 =	vmul.f32 v45, v22;
	v22 =	vadd.s32 s31, v7;
	v25 =	vld.idx.msk [tilespmem:v13+s1+$0x0], $0xffff  }
0x187: {  	v36 =	vmul.f32 v59, v36;
	v55 =	vmul.f32 v51, v28;
	v51 =	vor.u32 v9, v3;
	v59 =	vld.idx.msk [tilespmem:v54+s1+$0x0], $0xffff  }
0x188: {  	v13 =	vmul.f32 v57, v28;
	v57 =	vor.u32 v23, v4;
	v43 =	vand.u32 $0x3F, v22;
	v22 =	vld.idx.msk [tilespmem:v38+s1+$0x0], $0xffff  }
0x189: {  	v50 =	vadd.f32 v44, v50;
	v63 =	vor.u32 v10, v4;
	v44 =	vld.idx.msk [tilespmem:v39+s1+$0x0], $0xffff  }
0x18a: {  	v14 =	vor.u32 v11, v4;
	[tilespmem:$0x1FE20] =	vst v13;
	v13 =	vmul.f32 v40, v28;
	v40 =	vld.idx.msk [tilespmem:v60+s12+$0x0], $0xffff  }
0x18b: {  	v45 =	vmul.f32 v58, v27;
	v58 =	vor.u32 v8, v4;
	v53 =	vmul.f32 v53, v19;
	v19 =	vld.idx.msk [tilespmem:v56+s1+$0x0], $0xffff  }
0x18c: {  	v50 =	vadd.f32 v47, v50;
	v38 =	vor.u32 v8, v3;
	v47 =	vld.idx.msk [tilespmem:v51+s12+$0x0], $0xffff  }
0x18d: {  	v54 =	vld.idx.msk [tilespmem:v57+s1+$0x0], $0xffff  }
0x18e: {  	v5 =	vadd.f32 v42, v5;
	v62 =	vor.u32 v23, v43;
	v51 =	vld.idx.msk [tilespmem:v63+s1+$0x0], $0xffff  }
0x18f: {  	v15 =	vor.u32 v9, v43;
	v1 =	vadd.f32 v1, v50;
	v20 =	vadd.f32 v36, v20;
	v50 =	vld.idx.msk [tilespmem:v14+s1+$0x0], $0xffff  }
0x190: {  	v48 =	vmul.f32 v2, v26;
	v5 =	vadd.f32 v52, v5;
	v61 =	vor.u32 v11, v43;
	v52 =	vld.idx.msk [tilespmem:v58+s1+$0x0], $0xffff  }
0x191: {  	s24 =	smov.u32 s18;
	v6 =	vmul.f32 v6, v26;
	v60 =	vor.u32 v8, v43;
	v20 =	vadd.f32 v30, v20;
	v38 =	vld.idx.msk [tilespmem:v38+s1+$0x0], $0xffff  }
0x192: {  	s11 =	sadd.s32 $0x4, s24;
	v39 =	vor.u32 v10, v3;
	v16 =	vmul.f32 v22, v26;
	v26 =	vmul.f32 v41, v26;
	v41 =	vld [tilespmem:$0x1FE70]  }
0x193: {  	v3 =	vor.u32 v11, v3;
	v22 =	vadd.s32 s11, v7;
	v20 =	vadd.f32 v33, v20;
	v62 =	vld.idx.msk [tilespmem:v62+s1+$0x0], $0xffff  }
0x194: {  	v63 =	vand.u32 $0x3F, v22;
	v22 =	vld.idx.msk [tilespmem:v15+s12+$0x0], $0xffff  }
0x195: {  	s31 =	sadd.s32 $0x5, s24;
	v57 =	vor.u32 v12, v43;
	v20 =	vadd.f32 v35, v20;
	v35 =	vld.idx.msk [tilespmem:v61+s1+$0x0], $0xffff  }
0x196: {  	v42 =	vmul.f32 v25, v27;
	v27 =	vmul.f32 v24, v27;
	v24 =	vadd.s32 s31, v7;
	v60 =	vld.idx.msk [tilespmem:v60+s1+$0x0], $0xffff  }
0x197: {  	v25 =	vadd.f32 v32, v46;
	[tilespmem:$0x1FE10] =	vst v44;
	v44 =	vmov v17;
	v17 =	vand.u32 $0x3F, v24;
	v24 =	vld [tilespmem:$0x1FEB0]  }
0x198: {  	v2 =	vadd.s32 s24, v7;
	v5 =	vadd.f32 v42, v5;
	v42 =	vor.u32 v10, v43;
	v3 =	vld.idx.msk [tilespmem:v3+s1+$0x0], $0xffff  }
0x199: {  	v1 =	vadd.f32 v31, v1;
	s31 =	sadd.s32 $0x7, s24;
	s11 =	sadd.s32 $0x6, s24;
	v49 =	vadd.f32 v49, v25;
	v15 =	vor.u32 v10, v63;
	v25 =	vld.idx.msk [tilespmem:v39+s1+$0x0], $0xffff  }
0x19a: {  	v31 =	vadd.s32 s31, v7;
	v5 =	vadd.f32 v26, v5;
	v26 =	vadd.s32 s11, v7;
	v7 =	vld [tilespmem:$0x1FED0]  }
0x19b: {  	v30 =	vand.u32 $0x38, v2;
	v57 =	vld.idx.msk [tilespmem:v57+s1+$0x0], $0xffff;
	v20 =	vadd.f32 v53, v20  }
0x19c: {  	v36 =	vor.u32 v23, v17;
	v46 =	vmul.f32 v38, v47;
	v18 =	vor.u32 v41, v30;
	v41 =	vld [tilespmem:$0x1FEC0]  }
0x19d: {  	v58 =	vor.u32 v12, v17;
	[tilespmem:$0x1FE50] =	vst v36;
	v20 =	vadd.f32 v45, v20;
	v45 =	vld.idx.msk [tilespmem:v42+s1+$0x0], $0xffff  }
0x19e: {  	v56 =	vor.u32 v9, v17;
	[tilespmem:$0x1FE30] =	vst v46;
	v46 =	vor.u32 v8, v17;
	v15 =	vld.idx.msk [tilespmem:v15+s1+$0x0], $0xffff  }
0x19f: {  	v36 =	vor.u32 v10, v17;
	[tilespmem:$0x1FE40] =	vst v46;
	v46 =	vld [tilespmem:$0x1FEA0]  }
0x1a0: {  	v34 =	vadd.f32 v34, v49;
	v33 =	vor.u32 v24, v30;
	v24 =	vmul.f32 v19, v47;
	v19 =	vld [tilespmem:$0x1FE80]  }
0x1a1: {  	v4 =	vor.u32 v12, v4;
	v0 =	vadd.f32 v29, v0;
	v1 =	vadd.f32 v7, v1;
	v7 =	vld [tilespmem:$0x1FE10]  }
0x1a2: {  	v6 =	vadd.f32 v6, v34;
	v34 =	vld.idx.msk [tilespmem:v58+s1+$0x0], $0xffff  }
0x1a3: {  	v0 =	vadd.f32 v27, v0;
	v17 =	vor.u32 v11, v17;
	v27 =	vld.idx.msk [tilespmem:v56+s12+$0x0], $0xffff  }
0x1a4: {  	v26 =	vand.u32 $0x3F, v26;
	v38 =	vor.u32 v12, v63;
	v6 =	vadd.f32 v13, v6;
	v13 =	vld.idx.msk [tilespmem:v36+s1+$0x0], $0xffff  }
0x1a5: {  	v14 =	vor.u32 v9, v63;
	v32 =	vor.u32 v8, v63;
	v61 =	vor.u32 v9, v26;
	v36 =	vld.idx.msk [tilespmem:v18+s12+$0x0], $0xffff  }
0x1a6: {  	v5 =	vadd.f32 v55, v5;
	v55 =	vor.u32 v11, v63;
	v18 =	vor.u32 v23, v63;
	v63 =	vld.idx.msk [tilespmem:v4+s1+$0x0], $0xffff  }
0x1a7: {  	v49 =	vor.u32 v19, v30;
	v19 =	vld [tilespmem:$0x1FE90]  }
0x1a8: {  	v43 =	vmul.f32 v52, v40;
	v39 =	vor.u32 v12, v26;
	v58 =	vld.idx.msk [tilespmem:v17+s1+$0x0], $0xffff  }
0x1a9: {  	v52 =	vor.u32 v11, v26;
	v56 =	vor.u32 v8, v26;
	v21 =	vor.u32 v46, v30;
	v46 =	vld.idx.msk [tilespmem:v38+s1+$0x0], $0xffff  }
0x1aa: {  	v2 =	vor.u32 v41, v30;
	v41 =	vor.u32 v23, v26;
	v38 =	vor.u32 v10, v26;
	v26 =	vld.idx.msk [tilespmem:v61+s12+$0x0], $0xffff  }
0x1ab: {  	v53 =	vmul.f32 v60, v22;
	v60 =	vmul.f32 v7, v47;
	v7 =	vld [tilespmem:$0x1FE20]  }
0x1ac: {  	v30 =	vor.u32 v19, v30;
	v19 =	vld.idx.msk [tilespmem:v14+s12+$0x0], $0xffff  }
0x1ad: {  	v29 =	vmul.f32 v37, v28;
	v14 =	vmul.f32 v59, v28;
	v28 =	vld.idx.msk [tilespmem:v32+s1+$0x0], $0xffff  }
0x1ae: {  	v0 =	vadd.f32 v48, v0;
	v37 =	vld.idx.msk [tilespmem:v49+s1+$0x0], $0xffff  }
0x1af: {  	v31 =	vand.u32 $0x3F, v31;
	v1 =	vadd.f32 v16, v1;
	v16 =	vld.idx.msk [tilespmem:v21+s1+$0x0], $0xffff  }
0x1b0: {  	v0 =	vadd.f32 v7, v0;
	v7 =	vmul.f32 v13, v27;
	v13 =	vor.u32 v9, v31;
	v21 =	vld.idx.msk [tilespmem:v52+s1+$0x0], $0xffff  }
0x1b1: {  	v32 =	vmul.f32 v57, v22;
	v52 =	vor.u32 v23, v31;
	v57 =	vld.idx.msk [tilespmem:v33+s1+$0x0], $0xffff  }
0x1b2: {  	v48 =	vmul.f32 v54, v40;
	v42 =	vmul.f32 v62, v22;
	v20 =	vadd.f32 v44, v20;
	v59 =	vld.idx.msk [tilespmem:v2+s1+$0x0], $0xffff  }
0x1b3: {  	v35 =	vmul.f32 v35, v22;
	v44 =	vmul.f32 v25, v47;
	v61 =	vor.u32 v12, v31;
	v49 =	vld.idx.msk [tilespmem:v30+s1+$0x0], $0xffff  }
0x1b4: {  	v25 =	vor.u32 v10, v31;
	v33 =	vmul.f32 v50, v40;
	v20 =	vadd.f32 v14, v20;
	v14 =	vld.idx.msk [tilespmem:v18+s1+$0x0], $0xffff  }
0x1b5: {  	v1 =	vadd.f32 v29, v1;
	v37 =	vmul.f32 v37, v36;
	v29 =	vmul.f32 v28, v19;
	v28 =	vld.idx.msk [tilespmem:v13+s12+$0x0], $0xffff  }
0x1b6: {  	v30 =	vmul.f32 v3, v47;
	v47 =	vmul.f32 v51, v40;
	v13 =	vor.u32 v8, v31;
	v51 =	vld.idx.msk [tilespmem:v52+s1+$0x0], $0xffff  }
0x1b7: {  	p1 =	slt.u32 s18, $0x38;
	v3 =	vmul.f32 v63, v40;
	v63 =	vld [tilespmem:$0x1FE30];
	v4 =	vadd.f32 v37, v6;
	v6 =	vmul.f32 v16, v36  }
.Ltmp6:
0x1b8: {  	v54 =	vor.u32 v11, v31;
	v40 =	vld.idx.msk [tilespmem:v61+s1+$0x0], $0xffff;
	v16 =	vmul.f32 v57, v36;
	v18 =	vmul.f32 v49, v36;
	(pc) =	sbr.rel @p1 .LBB2_12-.Ltmp6, $4  }
0x1b9: {  	v52 =	vmul.f32 v14, v19;
	v14 =	vld [tilespmem:$0x1FE40];
	v49 =	vmul.f32 v46, v19;
	v46 =	vadd.f32 v6, v5  }
0x1ba: {  	v34 =	vmul.f32 v34, v27;
	v37 =	vld.idx.msk [tilespmem:v25+s1+$0x0], $0xffff;
	v4 =	vadd.f32 v24, v4;
	v0 =	vadd.f32 v18, v0  }
0x1bb: {  	v17 =	vmul.f32 v21, v26;
	v50 =	vadd.f32 v16, v1;
	v57 =	vld.idx.msk [tilespmem:v13+s1+$0x0], $0xffff;
	v60 =	vadd.f32 v60, v46  }
0x1bc: {  	s18 =	sadd.s32 $0x8, s18;
	[tilespmem:$0x1FED0] =	vst v7;
	v31 =	vmul.f32 v15, v19;
	v13 =	vld [tilespmem:$0x1FE50];
	v46 =	vadd.f32 v3, v4;
	v61 =	vadd.f32 v63, v0  }
0x1bd: {  	_ =	sdelay $0x2  }
0x1be: {  	v0 =	vmul.f32 v59, v36  }
0x1bf: {  	v5 =	vld.idx.msk [tilespmem:v55+s1+$0x0], $0xffff  }
0x1c0: {  	v4 =	vadd.f32 v48, v60;
	v10 =	vld.idx.msk [tilespmem:v41+s1+$0x0], $0xffff;
	v0 =	vadd.f32 v0, v20  }
0x1c1: {  	v9 =	vadd.f32 v44, v50;
	v11 =	vld.idx.msk [tilespmem:v39+s1+$0x0], $0xffff;
	v1 =	vadd.f32 v43, v61  }
0x1c2: {  	v3 =	vmul.f32 v45, v22;
	v44 =	vld [tilespmem:$0x1FED0];
	v4 =	vadd.f32 v42, v4;
	v0 =	vadd.f32 v30, v0  }
0x1c3: {  	v6 =	vmul.f32 v58, v27;
	v9 =	vadd.f32 v47, v9;
	v1 =	vadd.f32 v53, v1;
	v2 =	vld.idx.msk [tilespmem:v13+s1+$0x0], $0xffff  }
0x1c4: {  	v8 =	vmul.f32 v51, v28;
	v14 =	vld.idx.msk [tilespmem:v14+s1+$0x0], $0xffff;
	v13 =	vadd.f32 v32, v46;
	v0 =	vadd.f32 v33, v0  }
0x1c5: {  	v7 =	vld.idx.msk [tilespmem:v56+s1+$0x0], $0xffff;
	v12 =	vmul.f32 v57, v28;
	v4 =	vadd.f32 v52, v4;
	v3 =	vadd.f32 v3, v9  }
0x1c6: {  	v15 =	vld.idx.msk [tilespmem:v38+s1+$0x0], $0xffff;
	v5 =	vmul.f32 v5, v19;
	v41 =	vmul.f32 v10, v26;
	v0 =	vadd.f32 v35, v0  }
0x1c7: {  	v16 =	vld.idx.msk [tilespmem:v54+s1+$0x0], $0xffff;
	v42 =	vmul.f32 v11, v26;
	v13 =	vadd.f32 v49, v13;
	v3 =	vadd.f32 v31, v3  }
0x1c8: {  	v1 =	vadd.f32 v29, v1;
	v2 =	vmul.f32 v2, v27;
	v0 =	vadd.f32 v5, v0  }
0x1c9: {  	v10 =	vmul.f32 v14, v27;
	v9 =	vadd.f32 v34, v13;
	v3 =	vadd.f32 v44, v3  }
0x1ca: {  	v7 =	vmul.f32 v7, v26;
	v2 =	vadd.f32 v2, v4;
	v0 =	vadd.f32 v6, v0  }
0x1cb: {  	v43 =	vmul.f32 v15, v26;
	v1 =	vadd.f32 v10, v1;
	v5 =	vadd.f32 v42, v9  }
0x1cc: {  	v45 =	vmul.f32 v16, v28;
	v2 =	vadd.f32 v41, v2;
	v0 =	vadd.f32 v17, v0  }
0x1cd: {  	v9 =	vmul.f32 v37, v28;
	v3 =	vadd.f32 v43, v3;
	v1 =	vadd.f32 v7, v1  }
0x1ce: {  	v46 =	vmul.f32 v40, v28;
	v2 =	vadd.f32 v8, v2;
	v0 =	vadd.f32 v45, v0  }
0x1cf: {  	v3 =	vadd.f32 v9, v3  }
0x1d0: {  	v4 =	vadd.f32 v46, v5;
	v1 =	vadd.f32 v12, v1;
	v47 =	vmax.f32 v2, v0  }
0x1d1: {  	v5 =	vmax.f32 v47, v3  }
0x1d2: {  	v4 =	vnsel vm0, $0xF149F2CA, v4;
	v5 =	vmax.f32 v5, v1  }
0x1d3: {  	v5 =	vmax.f32 v5, v4  }
0x1d4: {  	(xrf0) =	vmax.scan.msk.f32 $0xffff, v5;
	_ =	sdelay $0x5  }
0x1d5: {  	v5, _, _ =	vpop (xrf0)  }
0x1d6: {  	v5 =	vbroadcast v5, $0xF;
	_ =	sdelay $0x1  }
0x1d7: {  	v2 =	vsub.f32 v2, v5  }
0x1d8: {  	v0 =	vsub.f32 v0, v5  }
0x1d9: {  	v2 =	vmul.f32 $1.442695020e+00, v2  }
0x1da: {  	v3 =	vsub.f32 v3, v5;
	v0 =	vmul.f32 $1.442695020e+00, v0  }
0x1db: {  	(erf) = vpow2.f32 v2  }
0x1dc: {  	v1 =	vsub.f32 v1, v5;
	v48 =	vmul.f32 $1.442695020e+00, v3;
	(erf) = vpow2.f32 v0  }
0x1dd: {  	v49 =	vsub.f32 v4, v5  }
0x1de: {  	v50 =	vmul.f32 $1.442695020e+00, v1;
	(erf) = vpow2.f32 v48  }
0x1df: {  	v51 =	vmul.f32 $1.442695020e+00, v49  }
0x1e0: {  	(erf) = vpow2.f32 v50  }
0x1e1: {  	(erf) = vpow2.f32 v51;
	_ =	sdelay $0x2  }
0x1e2: {  	v52 =	vpop (erf)  }
0x1e3: {  	v53 =	vpop (erf)  }
0x1e4: {  	v54 =	vadd.f32 v53, v52  }
0x1e5: {  	v55 =	vpop (erf)  }
0x1e6: {  	v2 =	vadd.f32 v54, v55  }
0x1e7: {  	v56 =	vpop (erf)  }
0x1e8: {  	v57 =	vpop (erf);
	v2 =	vadd.f32 v2, v56  }
0x1e9: {  	v5 =	vnsel vm0, $0x0, v57  }
0x1ea: {  	v2 =	vadd.f32 v2, v5;
	_ =	sdelay $0x1  }
0x1eb: {  	(xrf2) =	vadd.scan.msk.f32 $0xffff, v2;
	_ =	sdelay $0x9  }
0x1ec: {  	v2, _, _ =	vpop (xrf2)  }
0x1ed: {  	v2 =	vbroadcast v2, $0xF;
	_ =	sdelay $0x1  }
0x1ee: {  	v58 =	vld [tilespmem:$0x1FE60];
	(erf) = vrcp.f32 v2;
	_ =	sdelay $0x2  }
0x1ef: {  	v11 =	vld [tilespmem:$0x1FFD0]  }
0x1f0: {  	v12 =	vld [tilespmem:$0x1FFE0]  }
0x1f1: {  	v13 =	vld [tilespmem:$0x1FFF0];
	v2 =	vmul.u32 $0x48, v58  }
0x1f2: {  	v59 =	vlaneseq.u32  }
0x1f3: {  	v6 =	vadd.s32 v59, v2  }
0x1f4: {  	v60 =	vadd.s32 v11, v2  }
0x1f5: {  	v9 =	vadd.s32 v12, v2;
	v8 =	vpop (erf)  }
0x1f6: {  	s26 =	sadd.s32 $0x1, s26;
	v10 =	vadd.s32 v13, v2;
	v0 =	vmul.f32 v8, v52  }
0x1f7: {  	p1 =	sne.s32 s26, $0x8;
	v2 =	vadd.s32 $0x40, v2;
	v1 =	vmul.f32 v8, v53  }
.Ltmp7:
0x1f8: {  	v61 =	vmul.f32 v8, v55;
	[tilespmem:v6+s7+$0x0] =	vst.idx.msk $0xffff, v0;
	(pc) =	sbr.rel @p1 .LBB2_11-.Ltmp7, $4  }
0x1f9: {  	v62 =	vmul.f32 v8, v56;
	v53 =	vld [tilespmem:$0x1FFC0];
	[tilespmem:v60+s7+$0x0] =	vst.idx.msk $0xffff, v1  }
0x1fa: {  	v63 =	vmul.f32 v8, v5;
	[tilespmem:v9+s7+$0x0] =	vst.idx.msk $0xffff, v61  }
0x1fb: {  	[tilespmem:v10+s7+$0x0] =	vst.idx.msk $0xffff, v62  }
0x1fc: {  	v61 =	vlaneseq.u32;
	[tilespmem:v2+s7+$0x0] =	vst.idx.msk $0x1, v63  }
.Ltmp8:
0x1fd: {  	(pc) =	sbr.rel @p0 .LBB2_16-.Ltmp8, $1  }
0x1fe: {  	_ =	sdelay $0x3  }
0x1ff: {  	s2 =	smul.u32 $0x1040, s10;
	_ =	sdelay $0x1  }
0x200: {  	s2 =	sshra.s32 s2, $0x2  }
0x201: {  	s11 =	sadd.s32 $0x2718, s2  }
0x202: {  	[tilespmem:s1], [sflag:$0x3] =	stream.indirect.gather [hbm4b:s4+s15], $0x40, s11, s15, $0xb8;
	[tilespmem:$0x18D90] =	vst v63  }
0x203: {  	_ = 	snop  }
0x204: {  	[tilespmem:s0], [sflag:$0x5] =	stream.indirect.gather [hbm4b:s5+s15], $0x1, s11, s15, $0xb8;
	[tilespmem:$0x18D90] =	vst v63  }
0x205: {  	s24 =	sadd.s32 $0x2780, s2  }
0x206: {  	[tilespmem:s19], [sflag:$0x3] =	stream.indirect.gather [hbm4b:s4+s15], $0x40, s24, s15, $0xb8;
	[tilespmem:$0x18D90] =	vst v63  }
0x207: {  	_ = 	snop  }
0x208: {  	[tilespmem:s20], [sflag:$0x5] =	stream.indirect.gather [hbm4b:s5+s15], $0x1, s24, s15, $0xb8;
	[tilespmem:$0x18D90] =	vst v63  }
0x209: {  	s26 =	sadd.s32 $0x27E8, s2  }
0x20a: {  	[tilespmem:s23], [sflag:$0x3] =	stream.indirect.gather [hbm4b:s4+s15], $0x40, s26, s15, $0xb8;
	[tilespmem:$0x18D90] =	vst v63  }
0x20b: {  	_ = 	snop  }
0x20c: {  	[tilespmem:s25], [sflag:$0x5] =	stream.indirect.gather [hbm4b:s5+s15], $0x1, s26, s15, $0xb8;
	[tilespmem:$0x18D90] =	vst v63  }
0x20d: {  	s31 =	sadd.s32 $0x2850, s2  }
0x20e: {  	[tilespmem:s29], [sflag:$0x3] =	stream.indirect.gather [hbm4b:s4+s15], $0x40, s31, s15, $0xb8;
	[tilespmem:$0x18D90] =	vst v63  }
0x20f: {  	_ = 	snop  }
0x210: {  	[tilespmem:s30], [sflag:$0x5] =	stream.indirect.gather [hbm4b:s5+s15], $0x1, s31, s15, $0xb8;
	[tilespmem:$0x18D90] =	vst v63  }
.Ltmp9:
0x211: {  	_ = 	snop;
	(pc) =	sbr.rel .LBB2_6-.Ltmp9, $4  }
0x212: {  	s2 =	sadd.s32 $0x28B8, s2  }
0x213: {  	[tilespmem:s3], [sflag:$0x3] =	stream.indirect.gather [hbm4b:s4+s15], $0x40, s2, s15, $0xb8;
	[tilespmem:$0x18D90] =	vst v63  }
0x214: {  	s10 =	sadd.s32 $0x1, s10  }
0x215: {  	[tilespmem:s21], [sflag:$0x5] =	stream.indirect.gather [hbm4b:s5+s15], $0x1, s2, s15, $0xb8;
	[tilespmem:$0x18D90] =	vst v63  }
.LBB2_17:
0x216: {  	_ =	sfence.sel $0x180000  }
0x217: {  	[bflag:$0x0] =	sbarrier.arrive $0xFFFF  }
0x218: {  	_ =	strace $0x90000047  }
0x219: {  	s0 =	stileid.u32;
	[bflag:$0x2] =	sbarrier.arrive $0xFFFF  }
0x21a: {  	p0 =	sne.s32 s0, $0x0;
	s0 =	rddreg [dreg:$0x4]  }
0x21b: {  	s0 =	sadd.s32 @!p0 $0x100000, s0  }
0x21c: {  	[sflag:s0] =	ssyncadd.tile.s32 @!p0 $0x1;
	_ =	shalt  }
.Lfunc_end2:
_tile_overlayer_lowered:
.L_overlay_start_2:
0x21d: {  	(tag) =	ssettag $0x2  }
0x21e: {  	s0 =	rddreg [dreg:$0x0];
	s2 =	stileid.u32  }
0x21f: {  	s1 =	rddreg [dreg:$0x1];
	p0 =	sne.s32 s2, $0x0  }
0x220: {  	s3 =	rddreg [dreg:$0x2];
	[bflag:$0x3] =	sbarrier.arrive $0xFFFF;
	s2 =	simm.s32 @!p0 $0x1C06  }
0x221: {  	[timem:s3], [sflag:s2] =	dma.local @!p0 [hbm:s0], s1  }
0x222: {  	s0 =	simm.s32 @!p0 $0x6  }
0x223: {  	_ =	swait.ge @!p0 [sflag:s0], s1  }
0x224: {  	s1 =	ssub.s32 @!p0 $0x0, s1;
	[sflag:s0] =	ssyncset.done @!p0 $0x0  }
0x225: {  	[sflag:s0] =	ssyncadd.s32 @!p0 s1  }
0x226: {  	[bflag:$0x3] =	sbarrier.arrive $0xFFFF  }
0x227: {  	_ =	shalt  }

</sc_bundles>
